<compile_context>
chip_gen: v7x
topology: tpu7x:2x2x1
jax: 0.10.2.dev20260603
libtpu: 0.0.44.dev20260713+nightly
codegen_flags: <defaults>
</compile_context>

<pallas_src>
import functools

import jax
import jax.numpy as jnp
from jax import lax
from jax.experimental import pallas as pl
from jax.experimental.pallas import tpu as pltpu
from jax.experimental.pallas import tpu_sc as plsc

N = 10000
E = 320000
C = 128
CC = 32
NC = 2
NS = 16
NW = NC * NS
EPW = E // NW
K = 125
CH = EPW // K
RPS = N // NS
BLK = 2000


def _make_seg_sum(src_row, dst_row):
    mesh = plsc.VectorSubcoreMesh(core_axis_name="c", subcore_axis_name="s")

    @functools.partial(
        pl.kernel,
        mesh=mesh,
        out_type=[jax.ShapeDtypeStruct((NC, N, C), jnp.bfloat16),
                  jax.ShapeDtypeStruct((NC, N, CC), jnp.bfloat16)],
        scratch_types=[
            pltpu.VMEM((CH, K), jnp.int32),
            pltpu.VMEM((CH, K), jnp.int32),
            pltpu.VMEM((2, K, C), jnp.bfloat16),
            pltpu.VMEM((K, CC), jnp.bfloat16),
            pltpu.VMEM_SHARED((N, C), jnp.bfloat16),
            pltpu.VMEM_SHARED((N, CC), jnp.bfloat16),
            pltpu.SemaphoreType.DMA,
            pltpu.SemaphoreType.DMA,
            pltpu.SemaphoreType.DMA,
        ],
        compiler_params=pltpu.CompilerParams(use_tc_tiling_on_sc=False),
    )
    def seg_sum(table_hbm, idx_hbm, zf_hbm, zc_hbm, ones_hbm,
                feat_out, cnt_out, sidx_v, didx_v, rows_v, ones_v,
                accf_sh, accc_sh, sem0, sem1, sem2):
        c = lax.axis_index("c")
        s = lax.axis_index("s")
        wid = c * NS + s
        pltpu.sync_copy(zf_hbm, accf_sh.at[pl.ds(s * RPS, RPS)])
        pltpu.sync_copy(zc_hbm, accc_sh.at[pl.ds(s * RPS, RPS)])
        pltpu.sync_copy(ones_hbm, ones_v)
        pltpu.sync_copy(idx_hbm.at[src_row, wid], sidx_v)
        pltpu.sync_copy(idx_hbm.at[dst_row, wid], didx_v)
        plsc.subcore_barrier()

        pltpu.async_copy(table_hbm.at[sidx_v.at[0]], rows_v.at[0], sem0)

        def body(t, carry):
            j = 2 * t
            pltpu.async_copy(table_hbm.at[sidx_v.at[j + 1]], rows_v.at[1], sem1)
            pltpu.make_async_copy(
                table_hbm.at[sidx_v.at[j]], rows_v.at[0], sem0).wait()
            pltpu.async_copy(ones_v, accc_sh.at[didx_v.at[j]], sem2, add=True)
            pltpu.sync_copy(rows_v.at[0], accf_sh.at[didx_v.at[j]], add=True)
            pltpu.make_async_copy(
                ones_v, accc_sh.at[didx_v.at[j]], sem2).wait()

            @pl.when(j + 2 < CH)
            def _():
                pltpu.async_copy(
                    table_hbm.at[sidx_v.at[j + 2]], rows_v.at[0], sem0)

            pltpu.make_async_copy(
                table_hbm.at[sidx_v.at[j + 1]], rows_v.at[1], sem1).wait()
            pltpu.async_copy(ones_v, accc_sh.at[didx_v.at[j + 1]], sem2,
                             add=True)
            pltpu.sync_copy(rows_v.at[1], accf_sh.at[didx_v.at[j + 1]],
                            add=True)
            pltpu.make_async_copy(
                ones_v, accc_sh.at[didx_v.at[j + 1]], sem2).wait()
            return carry

        lax.fori_loop(0, CH // 2, body, 0)

        plsc.subcore_barrier()
        pltpu.sync_copy(accf_sh.at[pl.ds(s * RPS, RPS)],
                        feat_out.at[c, pl.ds(s * RPS, RPS)])
        pltpu.sync_copy(accc_sh.at[pl.ds(s * RPS, RPS)],
                        cnt_out.at[c, pl.ds(s * RPS, RPS)])

    return seg_sum


_seg_sum_a = _make_seg_sum(1, 0)
_seg_sum_b = _make_seg_sum(0, 1)


def _merge_agg(f0, f1, c0, c1):
    f = f0.astype(jnp.float32) + f1.astype(jnp.float32)
    cnt = c0[:, :1].astype(jnp.float32) + c1[:, :1].astype(jnp.float32)
    return f * (1.0 / jnp.maximum(cnt, 1.0))


def _layer_norm(r, g, be):
    mu = jnp.mean(r, axis=1, keepdims=True)
    d = r - mu
    var = jnp.mean(d * d, axis=1, keepdims=True)
    return d * lax.rsqrt(var + 1e-5) * g + be


def _silu(x):
    return x * (1.0 / (1.0 + jnp.exp(-x)))


def _cls_body(h_ref, f0_ref, f1_ref, c0_ref, c1_ref, w1a_ref, w1b_ref, b1_ref,
              w2_ref, b2_ref, g_ref, be_ref, out_ref, tab_ref):
    hp = h_ref[...]
    agg = _merge_agg(f0_ref[0], f1_ref[0], c0_ref[0], c1_ref[0])
    u1 = _silu(hp @ w1a_ref[...] + agg @ w1b_ref[...] + b1_ref[...])
    u = u1 @ w2_ref[...] + b2_ref[...]
    y = _layer_norm(hp + u, g_ref[...], be_ref[...])
    out_ref[...] = y
    tab_ref[...] = y.astype(jnp.bfloat16)


def _lit_body(h_ref, f0_ref, f1_ref, c0_ref, c1_ref, w1a_ref, w1b_ref,
              w1c_ref, b1_ref, w2_ref, b2_ref, g_ref, be_ref, out_ref):
    hp = h_ref[...]
    agg = _merge_agg(f0_ref[0], f1_ref[0], c0_ref[0], c1_ref[0])
    up = pltpu.roll(hp, BLK - 1, 0)
    dn = pltpu.roll(hp, 1, 0)
    parity = lax.broadcasted_iota(jnp.int32, (BLK, C), 0) % 2
    fl = jnp.where(parity == 0, up, dn)
    u1 = _silu(hp @ w1a_ref[...] + fl @ w1b_ref[...] + agg @ w1c_ref[...]
               + b1_ref[...])
    v = u1 @ w2_ref[...] + b2_ref[...]
    out_ref[...] = _layer_norm(hp + v, g_ref[...], be_ref[...])


def _row_spec(w):
    return pl.BlockSpec((BLK, w), lambda i: (i, 0))


def _acc_spec(slab, w):
    return pl.BlockSpec((1, BLK, w), lambda i, s=slab: (s, i, 0))


def _full_spec(a):
    return pl.BlockSpec(a.shape, lambda i: (0,) * a.ndim)


def _mlp_cls(h, feat, cnt, w1a, w1b, b1, w2, b2, g, be):
    return pl.pallas_call(
        _cls_body,
        grid=(N // BLK,),
        in_specs=[_row_spec(C), _acc_spec(0, C), _acc_spec(1, C),
                  _acc_spec(0, CC), _acc_spec(1, CC),
                  _full_spec(w1a), _full_spec(w1b), _full_spec(b1),
                  _full_spec(w2), _full_spec(b2), _full_spec(g),
                  _full_spec(be)],
        out_specs=[_row_spec(C), _row_spec(C)],
        out_shape=[jax.ShapeDtypeStruct((N, C), jnp.float32),
                   jax.ShapeDtypeStruct((N, C), jnp.bfloat16)],
    )(h, feat, feat, cnt, cnt, w1a, w1b, b1, w2, b2, g, be)


def _mlp_lit(h, feat, cnt, w1a, w1b, w1c, b1, w2, b2, g, be):
    return pl.pallas_call(
        _lit_body,
        grid=(N // BLK,),
        in_specs=[_row_spec(C), _acc_spec(0, C), _acc_spec(1, C),
                  _acc_spec(0, CC), _acc_spec(1, CC),
                  _full_spec(w1a), _full_spec(w1b), _full_spec(w1c),
                  _full_spec(b1), _full_spec(w2), _full_spec(b2),
                  _full_spec(g), _full_spec(be)],
        out_specs=_row_spec(C),
        out_shape=jax.ShapeDtypeStruct((N, C), jnp.float32),
    )(h, feat, feat, cnt, cnt, w1a, w1b, w1c, b1, w2, b2, g, be)


@jax.jit
def kernel(h_lit, h_cls, edge_index, W1_cls, b1_cls, W2_cls, b2_cls,
           W1_lit, b1_lit, W2_lit, b2_lit, g_cls, be_cls, g_lit, be_lit):
    ei = edge_index.astype(jnp.int32).reshape(2, NW, CH, K)
    zf = jnp.zeros((RPS, C), jnp.bfloat16)
    zc = jnp.zeros((RPS, CC), jnp.bfloat16)
    ones = jnp.ones((K, CC), jnp.bfloat16)
    h_lit_b = h_lit.astype(jnp.bfloat16)

    b1c = b1_cls.reshape(1, C)
    b2c = b2_cls.reshape(1, C)
    b1l = b1_lit.reshape(1, C)
    b2l = b2_lit.reshape(1, C)
    gc = g_cls.reshape(1, C)
    bec = be_cls.reshape(1, C)
    gl = g_lit.reshape(1, C)
    bel = be_lit.reshape(1, C)

    feat_a, cnt_a = _seg_sum_a(h_lit_b, ei, zf, zc, ones)
    h_cls_new, h_cls_b = _mlp_cls(
        h_cls, feat_a, cnt_a, W1_cls[:C], W1_cls[C:], b1c, W2_cls, b2c,
        gc, bec)

    feat_b, cnt_b = _seg_sum_b(h_cls_b, ei, zf, zc, ones)
    h_lit_new = _mlp_lit(
        h_lit, feat_b, cnt_b, W1_lit[:C], W1_lit[C:2 * C], W1_lit[2 * C:],
        b1l, W2_lit, b2l, gl, bel)

    return (h_lit_new, h_cls_new)

# --- scband reference (transcript-rebuilt; emitter-appended) ---
"""Pipeline reference for scband-gnnlayer-37641093382252 (READ-ONLY COPY).

The authoritative reference and input builder live on the scoring server;
editing this copy changes nothing except your own understanding.
"""

import jax, jax.numpy as jnp
import numpy as np

N_LIT = 10000
N_CLS = 10000
E = 320000
C = 128


def setup_inputs(seed: int = 0) -> dict:
    key = jax.random.key(seed)
    ks = jax.random.split(key, 16)
    inp = {}
    inp['h_lit'] = jax.random.normal(ks[0], (N_LIT, C), dtype=jnp.float32)
    inp['h_cls'] = jax.random.normal(ks[1], (N_CLS, C), dtype=jnp.float32)
    inp['edge_index'] = jax.random.randint(ks[2], (2, E), 0, N_LIT, dtype=jnp.int64)
    s1 = 0.02
    inp['W1_cls'] = jax.random.normal(ks[3], (2 * C, C), dtype=jnp.float32) * s1
    inp['b1_cls'] = jnp.zeros((C,), dtype=jnp.float32)
    inp['W2_cls'] = jax.random.normal(ks[4], (C, C), dtype=jnp.float32) * s1
    inp['b2_cls'] = jnp.zeros((C,), dtype=jnp.float32)
    inp['W1_lit'] = jax.random.normal(ks[5], (3 * C, C), dtype=jnp.float32) * s1
    inp['b1_lit'] = jnp.zeros((C,), dtype=jnp.float32)
    inp['W2_lit'] = jax.random.normal(ks[6], (C, C), dtype=jnp.float32) * s1
    inp['b2_lit'] = jnp.zeros((C,), dtype=jnp.float32)
    inp['g_cls'] = jnp.ones((C,), dtype=jnp.float32)
    inp['be_cls'] = jnp.zeros((C,), dtype=jnp.float32)
    inp['g_lit'] = jnp.ones((C,), dtype=jnp.float32)
    inp['be_lit'] = jnp.zeros((C,), dtype=jnp.float32)
    return inp


def _layer_norm(x, g, b, eps=1e-5):
    mu = jnp.mean(x, axis=-1, keepdims=True)
    var = jnp.mean((x - mu) ** 2, axis=-1, keepdims=True)
    return (x - mu) / jnp.sqrt(var + eps) * g + b


def _silu(x):
    return x * jax.nn.sigmoid(x)


def _mean_aggregate(src_feats, dst_idx, num_dst):
    # sparse matmul with reduce='mean': segment-sum then divide by in-degree (clamped to 1)
    s = jax.ops.segment_sum(src_feats, dst_idx, num_segments=num_dst)
    cnt = jax.ops.segment_sum(jnp.ones((dst_idx.shape[0], 1), dtype=src_feats.dtype), dst_idx, num_segments=num_dst)
    return s / jnp.maximum(cnt, 1.0)


def _flip_lit_emb(x):
    # swap adjacent rows (literal <-> negated literal)
    n, c = x.shape
    return x.reshape(n // 2, 2, c)[:, ::-1, :].reshape(n, c)


def reference(h_lit, h_cls, edge_index, W1_cls, b1_cls, W2_cls, b2_cls, W1_lit, b1_lit, W2_lit, b2_lit, g_cls, be_cls, g_lit, be_lit):
    cls_idx = edge_index[0]
    lit_idx = edge_index[1]
    # cls <- aggregate literal messages (cls_adj @ h_lit, reduce='mean')
    agg_cls = _mean_aggregate(h_lit[lit_idx], cls_idx, N_CLS)
    z_cls = jnp.concatenate([h_cls, agg_cls], axis=1)
    u = _silu(z_cls @ W1_cls + b1_cls) @ W2_cls + b2_cls
    h_cls_new = _layer_norm(h_cls + u, g_cls, be_cls)
    # lit <- aggregate clause messages (lit_adj @ h_cls, reduce='mean')
    agg_lit = _mean_aggregate(h_cls_new[cls_idx], lit_idx, N_LIT)
    z_lit = jnp.concatenate([h_lit, _flip_lit_emb(h_lit), agg_lit], axis=1)
    v = _silu(z_lit @ W1_lit + b1_lit) @ W2_lit + b2_lit
    h_lit_new = _layer_norm(h_lit + v, g_lit, be_lit)
    return (h_lit_new, h_cls_new)

if __name__ == "__main__":
    import jax
    _d = setup_inputs()
    print(jax.jit(kernel)(*tuple(_d.values())))

</pallas_src>

<mosaic_0001>
#map = affine_map<(d0, d1) -> (0, 0)>
#map1 = affine_map<(d0, d1) -> (0, 0, 0, 0)>
#map2 = affine_map<(d0, d1) -> (0, 0, 0)>
module attributes {stable_mosaic.version = 14 : i64} {
  func.func @seg_sum(%arg0: i32, %arg1: i32, %arg2: memref<10000x128xbf16, #tpu.memory_space<hbm>>, %arg3: memref<2x32x80x125xi32, #tpu.memory_space<hbm>>, %arg4: memref<625x128xbf16, #tpu.memory_space<hbm>>, %arg5: memref<625x32xbf16, #tpu.memory_space<hbm>>, %arg6: memref<125x32xbf16, #tpu.memory_space<hbm>>, %arg7: memref<2x10000x128xbf16, #tpu.memory_space<hbm>>, %arg8: memref<2x10000x32xbf16, #tpu.memory_space<hbm>>, %arg9: memref<80x125xi32, #tpu.memory_space<vmem>>, %arg10: memref<80x125xi32, #tpu.memory_space<vmem>>, %arg11: memref<2x125x128xbf16, #tpu.memory_space<vmem>>, %arg12: memref<125x32xbf16, #tpu.memory_space<vmem>>, %arg13: memref<10000x128xbf16, #tpu.memory_space<vmem_shared>>, %arg14: memref<10000x32xbf16, #tpu.memory_space<vmem_shared>>, %arg15: memref<!tpu.dma_semaphore, #tpu.memory_space<semaphore_mem>>, %arg16: memref<!tpu.dma_semaphore, #tpu.memory_space<semaphore_mem>>, %arg17: memref<!tpu.dma_semaphore, #tpu.memory_space<semaphore_mem>>) attributes {dimension_semantics = [#tpu.dimension_semantics<core_parallel>, #tpu.dimension_semantics<subcore_parallel>], iteration_bounds = array<i64: 2, 16>, scalar_prefetch = 0 : i64, scratch_operands = 9 : i64, tpu.core_type = #tpu.core_type<sc_vector_subcore>, window_params = [{transform_indices = #map}, {transform_indices = #map1}, {transform_indices = #map}, {transform_indices = #map}, {transform_indices = #map}, {transform_indices = #map2}, {transform_indices = #map2}]} {
    %mul3A = arith.constant 16 : i32
    %mul3A_0 = arith.muli %arg0, %mul3A : i32
    %add3A = arith.addi %mul3A_0, %arg1 : i32
    %mul3A_1 = arith.constant 625 : i32
    %mul3A_2 = arith.muli %arg1, %mul3A_1 : i32
    "tpu.region"() ({
      %run_scoped3A_31 = tpu.sem_alloc : memref<!tpu.dma_semaphore, #tpu.memory_space<semaphore_mem>>
      %dma_start3A_32 = arith.constant 0 : i32
      %dma_start3A_33 = tpu.memref_slice %arg13[%mul3A_2, %dma_start3A_32] : memref<10000x128xbf16, #tpu.memory_space<vmem_shared>> -> memref<625x128xbf16, #tpu.memory_space<vmem_shared>>
      tpu.enqueue_dma source(%arg4 : memref<625x128xbf16, #tpu.memory_space<hbm>>) target(%dma_start3A_33 : memref<625x128xbf16, #tpu.memory_space<vmem_shared>>) target_semaphore(%run_scoped3A_31 : memref<!tpu.dma_semaphore, #tpu.memory_space<semaphore_mem>>)
      %dma_wait3A = arith.constant 0 : i32
      %dma_wait3A_34 = tpu.memref_slice %arg13[%mul3A_2, %dma_wait3A] : memref<10000x128xbf16, #tpu.memory_space<vmem_shared>> -> memref<625x128xbf16, #tpu.memory_space<vmem_shared>>
      tpu.wait_dma2 semaphore(%run_scoped3A_31 : memref<!tpu.dma_semaphore, #tpu.memory_space<semaphore_mem>>) src(%arg4 : memref<625x128xbf16, #tpu.memory_space<hbm>>) dst(%dma_wait3A_34 : memref<625x128xbf16, #tpu.memory_space<vmem_shared>>)
      tpu.yield
    }) : () -> ()
    %mul3A_3 = arith.constant 625 : i32
    %mul3A_4 = arith.muli %arg1, %mul3A_3 : i32
    "tpu.region"() ({
      %run_scoped3A_31 = tpu.sem_alloc : memref<!tpu.dma_semaphore, #tpu.memory_space<semaphore_mem>>
      %dma_start3A_32 = arith.constant 0 : i32
      %dma_start3A_33 = tpu.memref_slice %arg14[%mul3A_4, %dma_start3A_32] : memref<10000x32xbf16, #tpu.memory_space<vmem_shared>> -> memref<625x32xbf16, #tpu.memory_space<vmem_shared>>
      tpu.enqueue_dma source(%arg5 : memref<625x32xbf16, #tpu.memory_space<hbm>>) target(%dma_start3A_33 : memref<625x32xbf16, #tpu.memory_space<vmem_shared>>) target_semaphore(%run_scoped3A_31 : memref<!tpu.dma_semaphore, #tpu.memory_space<semaphore_mem>>)
      %dma_wait3A = arith.constant 0 : i32
      %dma_wait3A_34 = tpu.memref_slice %arg14[%mul3A_4, %dma_wait3A] : memref<10000x32xbf16, #tpu.memory_space<vmem_shared>> -> memref<625x32xbf16, #tpu.memory_space<vmem_shared>>
      tpu.wait_dma2 semaphore(%run_scoped3A_31 : memref<!tpu.dma_semaphore, #tpu.memory_space<semaphore_mem>>) src(%arg5 : memref<625x32xbf16, #tpu.memory_space<hbm>>) dst(%dma_wait3A_34 : memref<625x32xbf16, #tpu.memory_space<vmem_shared>>)
      tpu.yield
    }) : () -> ()
    "tpu.region"() ({
      %run_scoped3A_31 = tpu.sem_alloc : memref<!tpu.dma_semaphore, #tpu.memory_space<semaphore_mem>>
      tpu.enqueue_dma source(%arg6 : memref<125x32xbf16, #tpu.memory_space<hbm>>) target(%arg12 : memref<125x32xbf16, #tpu.memory_space<vmem>>) target_semaphore(%run_scoped3A_31 : memref<!tpu.dma_semaphore, #tpu.memory_space<semaphore_mem>>)
      tpu.wait_dma2 semaphore(%run_scoped3A_31 : memref<!tpu.dma_semaphore, #tpu.memory_space<semaphore_mem>>) src(%arg6 : memref<125x32xbf16, #tpu.memory_space<hbm>>) dst(%arg12 : memref<125x32xbf16, #tpu.memory_space<vmem>>)
      tpu.yield
    }) : () -> ()
    %run_scoped3A = arith.constant 1 : i32
    "tpu.region"() ({
      %run_scoped3A_31 = tpu.sem_alloc : memref<!tpu.dma_semaphore, #tpu.memory_space<semaphore_mem>>
      %dma_start3A_32 = arith.constant 0 : i32
      %dma_start3A_33 = arith.constant 0 : i32
      %dma_start3A_34 = tpu.memref_slice %arg3[%run_scoped3A, %add3A, %dma_start3A_32, %dma_start3A_33] : memref<2x32x80x125xi32, #tpu.memory_space<hbm>> -> memref<1x1x80x125xi32, #tpu.memory_space<hbm>>
      %dma_start3A_35 = tpu.memref_squeeze %dma_start3A_34 : memref<1x1x80x125xi32, #tpu.memory_space<hbm>> -> memref<80x125xi32, #tpu.memory_space<hbm>>
      %dma_start3A_36 = arith.constant 0 : i32
      %dma_start3A_37 = arith.constant 0 : i32
      %dma_start3A_38 = tpu.memref_slice %arg3[%run_scoped3A, %add3A, %dma_start3A_36, %dma_start3A_37] : memref<2x32x80x125xi32, #tpu.memory_space<hbm>> -> memref<1x1x80x125xi32, #tpu.memory_space<hbm>>
      %dma_start3A_39 = tpu.memref_squeeze %dma_start3A_38 : memref<1x1x80x125xi32, #tpu.memory_space<hbm>> -> memref<80x125xi32, #tpu.memory_space<hbm>>
      tpu.enqueue_dma source(%dma_start3A_39 : memref<80x125xi32, #tpu.memory_space<hbm>>) target(%arg9 : memref<80x125xi32, #tpu.memory_space<vmem>>) target_semaphore(%run_scoped3A_31 : memref<!tpu.dma_semaphore, #tpu.memory_space<semaphore_mem>>)
      %dma_wait3A = arith.constant 0 : i32
      %dma_wait3A_40 = arith.constant 0 : i32
      %dma_wait3A_41 = tpu.memref_slice %arg3[%run_scoped3A, %add3A, %dma_wait3A, %dma_wait3A_40] : memref<2x32x80x125xi32, #tpu.memory_space<hbm>> -> memref<1x1x80x125xi32, #tpu.memory_space<hbm>>
      %dma_wait3A_42 = tpu.memref_squeeze %dma_wait3A_41 : memref<1x1x80x125xi32, #tpu.memory_space<hbm>> -> memref<80x125xi32, #tpu.memory_space<hbm>>
      %dma_wait3A_43 = arith.constant 0 : i32
      %dma_wait3A_44 = arith.constant 0 : i32
      %dma_wait3A_45 = tpu.memref_slice %arg3[%run_scoped3A, %add3A, %dma_wait3A_43, %dma_wait3A_44] : memref<2x32x80x125xi32, #tpu.memory_space<hbm>> -> memref<1x1x80x125xi32, #tpu.memory_space<hbm>>
      %dma_wait3A_46 = tpu.memref_squeeze %dma_wait3A_45 : memref<1x1x80x125xi32, #tpu.memory_space<hbm>> -> memref<80x125xi32, #tpu.memory_space<hbm>>
      tpu.wait_dma2 semaphore(%run_scoped3A_31 : memref<!tpu.dma_semaphore, #tpu.memory_space<semaphore_mem>>) src(%dma_wait3A_46 : memref<80x125xi32, #tpu.memory_space<hbm>>) dst(%arg9 : memref<80x125xi32, #tpu.memory_space<vmem>>)
      tpu.yield
    }) : () -> ()
    %run_scoped3A_5 = arith.constant 0 : i32
    "tpu.region"() ({
      %run_scoped3A_31 = tpu.sem_alloc : memref<!tpu.dma_semaphore, #tpu.memory_space<semaphore_mem>>
      %dma_start3A_32 = arith.constant 0 : i32
      %dma_start3A_33 = arith.constant 0 : i32
      %dma_start3A_34 = tpu.memref_slice %arg3[%run_scoped3A_5, %add3A, %dma_start3A_32, %dma_start3A_33] : memref<2x32x80x125xi32, #tpu.memory_space<hbm>> -> memref<1x1x80x125xi32, #tpu.memory_space<hbm>>
      %dma_start3A_35 = tpu.memref_squeeze %dma_start3A_34 : memref<1x1x80x125xi32, #tpu.memory_space<hbm>> -> memref<80x125xi32, #tpu.memory_space<hbm>>
      %dma_start3A_36 = arith.constant 0 : i32
      %dma_start3A_37 = arith.constant 0 : i32
      %dma_start3A_38 = tpu.memref_slice %arg3[%run_scoped3A_5, %add3A, %dma_start3A_36, %dma_start3A_37] : memref<2x32x80x125xi32, #tpu.memory_space<hbm>> -> memref<1x1x80x125xi32, #tpu.memory_space<hbm>>
      %dma_start3A_39 = tpu.memref_squeeze %dma_start3A_38 : memref<1x1x80x125xi32, #tpu.memory_space<hbm>> -> memref<80x125xi32, #tpu.memory_space<hbm>>
      tpu.enqueue_dma source(%dma_start3A_39 : memref<80x125xi32, #tpu.memory_space<hbm>>) target(%arg10 : memref<80x125xi32, #tpu.memory_space<vmem>>) target_semaphore(%run_scoped3A_31 : memref<!tpu.dma_semaphore, #tpu.memory_space<semaphore_mem>>)
      %dma_wait3A = arith.constant 0 : i32
      %dma_wait3A_40 = arith.constant 0 : i32
      %dma_wait3A_41 = tpu.memref_slice %arg3[%run_scoped3A_5, %add3A, %dma_wait3A, %dma_wait3A_40] : memref<2x32x80x125xi32, #tpu.memory_space<hbm>> -> memref<1x1x80x125xi32, #tpu.memory_space<hbm>>
      %dma_wait3A_42 = tpu.memref_squeeze %dma_wait3A_41 : memref<1x1x80x125xi32, #tpu.memory_space<hbm>> -> memref<80x125xi32, #tpu.memory_space<hbm>>
      %dma_wait3A_43 = arith.constant 0 : i32
      %dma_wait3A_44 = arith.constant 0 : i32
      %dma_wait3A_45 = tpu.memref_slice %arg3[%run_scoped3A_5, %add3A, %dma_wait3A_43, %dma_wait3A_44] : memref<2x32x80x125xi32, #tpu.memory_space<hbm>> -> memref<1x1x80x125xi32, #tpu.memory_space<hbm>>
      %dma_wait3A_46 = tpu.memref_squeeze %dma_wait3A_45 : memref<1x1x80x125xi32, #tpu.memory_space<hbm>> -> memref<80x125xi32, #tpu.memory_space<hbm>>
      tpu.wait_dma2 semaphore(%run_scoped3A_31 : memref<!tpu.dma_semaphore, #tpu.memory_space<semaphore_mem>>) src(%dma_wait3A_46 : memref<80x125xi32, #tpu.memory_space<hbm>>) dst(%arg10 : memref<80x125xi32, #tpu.memory_space<vmem>>)
      tpu.yield
    }) : () -> ()
    %barrier3A = arith.constant 0 : index
    tpu.barrier barrier_id(%barrier3A)
    %dma_start3A = arith.constant 0 : i32
    %dma_start3A_6 = arith.constant 0 : i32
    %dma_start3A_7 = arith.constant 0 : i32
    %dma_start3A_8 = arith.constant 0 : i32
    %dma_start3A_9 = tpu.memref_slice %arg11[%dma_start3A_6, %dma_start3A_7, %dma_start3A_8] : memref<2x125x128xbf16, #tpu.memory_space<vmem>> -> memref<1x125x128xbf16, #tpu.memory_space<vmem>>
    %dma_start3A_10 = tpu.memref_squeeze %dma_start3A_9 : memref<1x125x128xbf16, #tpu.memory_space<vmem>> -> memref<125x128xbf16, #tpu.memory_space<vmem>>
    %dma_start3A_11 = arith.constant 0 : i32
    %dma_start3A_12 = tpu.memref_slice %arg9[%dma_start3A, %dma_start3A_11] : memref<80x125xi32, #tpu.memory_space<vmem>> -> memref<1x125xi32, #tpu.memory_space<vmem>>
    %dma_start3A_13 = tpu.memref_squeeze %dma_start3A_12 : memref<1x125xi32, #tpu.memory_space<vmem>> -> memref<125xi32, #tpu.memory_space<vmem>>
    %dma_start3A_14 = arith.constant 0 : i32
    %dma_start3A_15 = arith.constant 0 : i32
    %dma_start3A_16 = tpu.memref_slice %arg2[%dma_start3A_14, %dma_start3A_15] : memref<10000x128xbf16, #tpu.memory_space<hbm>> -> memref<10000x128xbf16, #tpu.memory_space<hbm>>
    tpu.enqueue_indirect_dma source(%dma_start3A_16 : memref<10000x128xbf16, #tpu.memory_space<hbm>>) target(%dma_start3A_10 : memref<125x128xbf16, #tpu.memory_space<vmem>>) offsets(%dma_start3A_13 : memref<125xi32, #tpu.memory_space<vmem>>) semaphore(%arg15 : memref<!tpu.dma_semaphore, #tpu.memory_space<semaphore_mem>>)
    %scan3A = arith.constant 0 : i32
    %scan3A_17 = arith.constant 0 : i32
    %scan3A_18 = arith.constant 40 : i32
    %scan3A_19 = arith.addi %scan3A_17, %scan3A_18 : i32
    %scan3A_20 = arith.constant 1 : i32
    scf.for %scan3A_31 = %scan3A_17 to %scan3A_19 step %scan3A_20  : i32 {
      %mul3A_32 = arith.constant 2 : i32
      %mul3A_33 = arith.muli %mul3A_32, %scan3A_31 : i32
      %add3A_34 = arith.constant 1 : i32
      %add3A_35 = arith.addi %mul3A_33, %add3A_34 : i32
      %dma_start3A_36 = arith.constant 1 : i32
      %dma_start3A_37 = arith.constant 0 : i32
      %dma_start3A_38 = arith.constant 0 : i32
      %dma_start3A_39 = tpu.memref_slice %arg11[%dma_start3A_36, %dma_start3A_37, %dma_start3A_38] : memref<2x125x128xbf16, #tpu.memory_space<vmem>> -> memref<1x125x128xbf16, #tpu.memory_space<vmem>>
      %dma_start3A_40 = tpu.memref_squeeze %dma_start3A_39 : memref<1x125x128xbf16, #tpu.memory_space<vmem>> -> memref<125x128xbf16, #tpu.memory_space<vmem>>
      %dma_start3A_41 = arith.constant 0 : i32
      %dma_start3A_42 = tpu.memref_slice %arg9[%add3A_35, %dma_start3A_41] : memref<80x125xi32, #tpu.memory_space<vmem>> -> memref<1x125xi32, #tpu.memory_space<vmem>>
      %dma_start3A_43 = tpu.memref_squeeze %dma_start3A_42 : memref<1x125xi32, #tpu.memory_space<vmem>> -> memref<125xi32, #tpu.memory_space<vmem>>
      %dma_start3A_44 = arith.constant 0 : i32
      %dma_start3A_45 = arith.constant 0 : i32
      %dma_start3A_46 = tpu.memref_slice %arg2[%dma_start3A_44, %dma_start3A_45] : memref<10000x128xbf16, #tpu.memory_space<hbm>> -> memref<10000x128xbf16, #tpu.memory_space<hbm>>
      tpu.enqueue_indirect_dma source(%dma_start3A_46 : memref<10000x128xbf16, #tpu.memory_space<hbm>>) target(%dma_start3A_40 : memref<125x128xbf16, #tpu.memory_space<vmem>>) offsets(%dma_start3A_43 : memref<125xi32, #tpu.memory_space<vmem>>) semaphore(%arg16 : memref<!tpu.dma_semaphore, #tpu.memory_space<semaphore_mem>>)
      %dma_wait3A = arith.constant 0 : i32
      %dma_wait3A_47 = arith.constant 0 : i32
      %dma_wait3A_48 = arith.constant 0 : i32
      %dma_wait3A_49 = tpu.memref_slice %arg11[%dma_wait3A, %dma_wait3A_47, %dma_wait3A_48] : memref<2x125x128xbf16, #tpu.memory_space<vmem>> -> memref<1x125x128xbf16, #tpu.memory_space<vmem>>
      %dma_wait3A_50 = tpu.memref_squeeze %dma_wait3A_49 : memref<1x125x128xbf16, #tpu.memory_space<vmem>> -> memref<125x128xbf16, #tpu.memory_space<vmem>>
      %dma_wait3A_51 = arith.constant 0 : i32
      %dma_wait3A_52 = tpu.memref_slice %arg9[%mul3A_33, %dma_wait3A_51] : memref<80x125xi32, #tpu.memory_space<vmem>> -> memref<1x125xi32, #tpu.memory_space<vmem>>
      %dma_wait3A_53 = tpu.memref_squeeze %dma_wait3A_52 : memref<1x125xi32, #tpu.memory_space<vmem>> -> memref<125xi32, #tpu.memory_space<vmem>>
      %dma_wait3A_54 = arith.constant 0 : i32
      %dma_wait3A_55 = arith.constant 0 : i32
      %dma_wait3A_56 = tpu.memref_slice %arg2[%dma_wait3A_54, %dma_wait3A_55] : memref<10000x128xbf16, #tpu.memory_space<hbm>> -> memref<10000x128xbf16, #tpu.memory_space<hbm>>
      tpu.wait_indirect_dma semaphore(%arg15 : memref<!tpu.dma_semaphore, #tpu.memory_space<semaphore_mem>>) src(%dma_wait3A_56 : memref<10000x128xbf16, #tpu.memory_space<hbm>>) dst(%dma_wait3A_50 : memref<125x128xbf16, #tpu.memory_space<vmem>>)
      %dma_start3A_57 = arith.constant 0 : i32
      %dma_start3A_58 = tpu.memref_slice %arg10[%mul3A_33, %dma_start3A_57] : memref<80x125xi32, #tpu.memory_space<vmem>> -> memref<1x125xi32, #tpu.memory_space<vmem>>
      %dma_start3A_59 = tpu.memref_squeeze %dma_start3A_58 : memref<1x125xi32, #tpu.memory_space<vmem>> -> memref<125xi32, #tpu.memory_space<vmem>>
      %dma_start3A_60 = arith.constant 0 : i32
      %dma_start3A_61 = arith.constant 0 : i32
      %dma_start3A_62 = tpu.memref_slice %arg14[%dma_start3A_60, %dma_start3A_61] : memref<10000x32xbf16, #tpu.memory_space<vmem_shared>> -> memref<10000x32xbf16, #tpu.memory_space<vmem_shared>>
      tpu.enqueue_indirect_dma source(%arg12 : memref<125x32xbf16, #tpu.memory_space<vmem>>) target(%dma_start3A_62 : memref<10000x32xbf16, #tpu.memory_space<vmem_shared>>) offsets(%dma_start3A_59 : memref<125xi32, #tpu.memory_space<vmem>>) semaphore(%arg17 : memref<!tpu.dma_semaphore, #tpu.memory_space<semaphore_mem>>) {add = true}
      %run_scoped3A_63 = arith.constant 0 : i32
      "tpu.region"() ({
        %run_scoped3A_106 = tpu.sem_alloc : memref<!tpu.dma_semaphore, #tpu.memory_space<semaphore_mem>>
        %dma_start3A_107 = arith.constant 0 : i32
        %dma_start3A_108 = arith.constant 0 : i32
        %dma_start3A_109 = tpu.memref_slice %arg11[%run_scoped3A_63, %dma_start3A_107, %dma_start3A_108] : memref<2x125x128xbf16, #tpu.memory_space<vmem>> -> memref<1x125x128xbf16, #tpu.memory_space<vmem>>
        %dma_start3A_110 = tpu.memref_squeeze %dma_start3A_109 : memref<1x125x128xbf16, #tpu.memory_space<vmem>> -> memref<125x128xbf16, #tpu.memory_space<vmem>>
        %dma_start3A_111 = arith.constant 0 : i32
        %dma_start3A_112 = tpu.memref_slice %arg10[%mul3A_33, %dma_start3A_111] : memref<80x125xi32, #tpu.memory_space<vmem>> -> memref<1x125xi32, #tpu.memory_space<vmem>>
        %dma_start3A_113 = tpu.memref_squeeze %dma_start3A_112 : memref<1x125xi32, #tpu.memory_space<vmem>> -> memref<125xi32, #tpu.memory_space<vmem>>
        %dma_start3A_114 = arith.constant 0 : i32
        %dma_start3A_115 = arith.constant 0 : i32
        %dma_start3A_116 = tpu.memref_slice %arg13[%dma_start3A_114, %dma_start3A_115] : memref<10000x128xbf16, #tpu.memory_space<vmem_shared>> -> memref<10000x128xbf16, #tpu.memory_space<vmem_shared>>
        tpu.enqueue_indirect_dma source(%dma_start3A_110 : memref<125x128xbf16, #tpu.memory_space<vmem>>) target(%dma_start3A_116 : memref<10000x128xbf16, #tpu.memory_space<vmem_shared>>) offsets(%dma_start3A_113 : memref<125xi32, #tpu.memory_space<vmem>>) semaphore(%run_scoped3A_106 : memref<!tpu.dma_semaphore, #tpu.memory_space<semaphore_mem>>) {add = true}
        %dma_wait3A_117 = arith.constant 0 : i32
        %dma_wait3A_118 = arith.constant 0 : i32
        %dma_wait3A_119 = tpu.memref_slice %arg11[%run_scoped3A_63, %dma_wait3A_117, %dma_wait3A_118] : memref<2x125x128xbf16, #tpu.memory_space<vmem>> -> memref<1x125x128xbf16, #tpu.memory_space<vmem>>
        %dma_wait3A_120 = tpu.memref_squeeze %dma_wait3A_119 : memref<1x125x128xbf16, #tpu.memory_space<vmem>> -> memref<125x128xbf16, #tpu.memory_space<vmem>>
        %dma_wait3A_121 = arith.constant 0 : i32
        %dma_wait3A_122 = tpu.memref_slice %arg10[%mul3A_33, %dma_wait3A_121] : memref<80x125xi32, #tpu.memory_space<vmem>> -> memref<1x125xi32, #tpu.memory_space<vmem>>
        %dma_wait3A_123 = tpu.memref_squeeze %dma_wait3A_122 : memref<1x125xi32, #tpu.memory_space<vmem>> -> memref<125xi32, #tpu.memory_space<vmem>>
        %dma_wait3A_124 = arith.constant 0 : i32
        %dma_wait3A_125 = arith.constant 0 : i32
        %dma_wait3A_126 = tpu.memref_slice %arg13[%dma_wait3A_124, %dma_wait3A_125] : memref<10000x128xbf16, #tpu.memory_space<vmem_shared>> -> memref<10000x128xbf16, #tpu.memory_space<vmem_shared>>
        tpu.wait_indirect_dma semaphore(%run_scoped3A_106 : memref<!tpu.dma_semaphore, #tpu.memory_space<semaphore_mem>>) src(%dma_wait3A_120 : memref<125x128xbf16, #tpu.memory_space<vmem>>) dst(%dma_wait3A_126 : memref<10000x128xbf16, #tpu.memory_space<vmem_shared>>)
        tpu.yield
      }) : () -> ()
      %dma_wait3A_64 = arith.constant 0 : i32
      %dma_wait3A_65 = tpu.memref_slice %arg10[%mul3A_33, %dma_wait3A_64] : memref<80x125xi32, #tpu.memory_space<vmem>> -> memref<1x125xi32, #tpu.memory_space<vmem>>
      %dma_wait3A_66 = tpu.memref_squeeze %dma_wait3A_65 : memref<1x125xi32, #tpu.memory_space<vmem>> -> memref<125xi32, #tpu.memory_space<vmem>>
      %dma_wait3A_67 = arith.constant 0 : i32
      %dma_wait3A_68 = arith.constant 0 : i32
      %dma_wait3A_69 = tpu.memref_slice %arg14[%dma_wait3A_67, %dma_wait3A_68] : memref<10000x32xbf16, #tpu.memory_space<vmem_shared>> -> memref<10000x32xbf16, #tpu.memory_space<vmem_shared>>
      tpu.wait_indirect_dma semaphore(%arg17 : memref<!tpu.dma_semaphore, #tpu.memory_space<semaphore_mem>>) src(%arg12 : memref<125x32xbf16, #tpu.memory_space<vmem>>) dst(%dma_wait3A_69 : memref<10000x32xbf16, #tpu.memory_space<vmem_shared>>)
      %add3A_70 = arith.constant 2 : i32
      %add3A_71 = arith.addi %mul3A_33, %add3A_70 : i32
      %lt3A = arith.constant 80 : i32
      %lt3A_72 = arith.cmpi slt, %add3A_71, %lt3A : i32
      %convert_element_type3A = arith.extui %lt3A_72 : i1 to i32
      %cond3A = arith.constant 0 : i32
      %cond3A_73 = arith.cmpi ne, %convert_element_type3A, %cond3A : i32
      scf.if %cond3A_73 {
        %add3A_106 = arith.constant 2 : i32
        %add3A_107 = arith.addi %mul3A_33, %add3A_106 : i32
        %dma_start3A_108 = arith.constant 0 : i32
        %dma_start3A_109 = arith.constant 0 : i32
        %dma_start3A_110 = arith.constant 0 : i32
        %dma_start3A_111 = tpu.memref_slice %arg11[%dma_start3A_108, %dma_start3A_109, %dma_start3A_110] : memref<2x125x128xbf16, #tpu.memory_space<vmem>> -> memref<1x125x128xbf16, #tpu.memory_space<vmem>>
        %dma_start3A_112 = tpu.memref_squeeze %dma_start3A_111 : memref<1x125x128xbf16, #tpu.memory_space<vmem>> -> memref<125x128xbf16, #tpu.memory_space<vmem>>
        %dma_start3A_113 = arith.constant 0 : i32
        %dma_start3A_114 = tpu.memref_slice %arg9[%add3A_107, %dma_start3A_113] : memref<80x125xi32, #tpu.memory_space<vmem>> -> memref<1x125xi32, #tpu.memory_space<vmem>>
        %dma_start3A_115 = tpu.memref_squeeze %dma_start3A_114 : memref<1x125xi32, #tpu.memory_space<vmem>> -> memref<125xi32, #tpu.memory_space<vmem>>
        %dma_start3A_116 = arith.constant 0 : i32
        %dma_start3A_117 = arith.constant 0 : i32
        %dma_start3A_118 = tpu.memref_slice %arg2[%dma_start3A_116, %dma_start3A_117] : memref<10000x128xbf16, #tpu.memory_space<hbm>> -> memref<10000x128xbf16, #tpu.memory_space<hbm>>
        tpu.enqueue_indirect_dma source(%dma_start3A_118 : memref<10000x128xbf16, #tpu.memory_space<hbm>>) target(%dma_start3A_112 : memref<125x128xbf16, #tpu.memory_space<vmem>>) offsets(%dma_start3A_115 : memref<125xi32, #tpu.memory_space<vmem>>) semaphore(%arg15 : memref<!tpu.dma_semaphore, #tpu.memory_space<semaphore_mem>>)
      } else {
      }
      %add3A_74 = arith.constant 1 : i32
      %add3A_75 = arith.addi %mul3A_33, %add3A_74 : i32
      %dma_wait3A_76 = arith.constant 1 : i32
      %dma_wait3A_77 = arith.constant 0 : i32
      %dma_wait3A_78 = arith.constant 0 : i32
      %dma_wait3A_79 = tpu.memref_slice %arg11[%dma_wait3A_76, %dma_wait3A_77, %dma_wait3A_78] : memref<2x125x128xbf16, #tpu.memory_space<vmem>> -> memref<1x125x128xbf16, #tpu.memory_space<vmem>>
      %dma_wait3A_80 = tpu.memref_squeeze %dma_wait3A_79 : memref<1x125x128xbf16, #tpu.memory_space<vmem>> -> memref<125x128xbf16, #tpu.memory_space<vmem>>
      %dma_wait3A_81 = arith.constant 0 : i32
      %dma_wait3A_82 = tpu.memref_slice %arg9[%add3A_75, %dma_wait3A_81] : memref<80x125xi32, #tpu.memory_space<vmem>> -> memref<1x125xi32, #tpu.memory_space<vmem>>
      %dma_wait3A_83 = tpu.memref_squeeze %dma_wait3A_82 : memref<1x125xi32, #tpu.memory_space<vmem>> -> memref<125xi32, #tpu.memory_space<vmem>>
      %dma_wait3A_84 = arith.constant 0 : i32
      %dma_wait3A_85 = arith.constant 0 : i32
      %dma_wait3A_86 = tpu.memref_slice %arg2[%dma_wait3A_84, %dma_wait3A_85] : memref<10000x128xbf16, #tpu.memory_space<hbm>> -> memref<10000x128xbf16, #tpu.memory_space<hbm>>
      tpu.wait_indirect_dma semaphore(%arg16 : memref<!tpu.dma_semaphore, #tpu.memory_space<semaphore_mem>>) src(%dma_wait3A_86 : memref<10000x128xbf16, #tpu.memory_space<hbm>>) dst(%dma_wait3A_80 : memref<125x128xbf16, #tpu.memory_space<vmem>>)
      %add3A_87 = arith.constant 1 : i32
      %add3A_88 = arith.addi %mul3A_33, %add3A_87 : i32
      %dma_start3A_89 = arith.constant 0 : i32
      %dma_start3A_90 = tpu.memref_slice %arg10[%add3A_88, %dma_start3A_89] : memref<80x125xi32, #tpu.memory_space<vmem>> -> memref<1x125xi32, #tpu.memory_space<vmem>>
      %dma_start3A_91 = tpu.memref_squeeze %dma_start3A_90 : memref<1x125xi32, #tpu.memory_space<vmem>> -> memref<125xi32, #tpu.memory_space<vmem>>
      %dma_start3A_92 = arith.constant 0 : i32
      %dma_start3A_93 = arith.constant 0 : i32
      %dma_start3A_94 = tpu.memref_slice %arg14[%dma_start3A_92, %dma_start3A_93] : memref<10000x32xbf16, #tpu.memory_space<vmem_shared>> -> memref<10000x32xbf16, #tpu.memory_space<vmem_shared>>
      tpu.enqueue_indirect_dma source(%arg12 : memref<125x32xbf16, #tpu.memory_space<vmem>>) target(%dma_start3A_94 : memref<10000x32xbf16, #tpu.memory_space<vmem_shared>>) offsets(%dma_start3A_91 : memref<125xi32, #tpu.memory_space<vmem>>) semaphore(%arg17 : memref<!tpu.dma_semaphore, #tpu.memory_space<semaphore_mem>>) {add = true}
      %add3A_95 = arith.constant 1 : i32
      %add3A_96 = arith.addi %mul3A_33, %add3A_95 : i32
      %run_scoped3A_97 = arith.constant 1 : i32
      "tpu.region"() ({
        %run_scoped3A_106 = tpu.sem_alloc : memref<!tpu.dma_semaphore, #tpu.memory_space<semaphore_mem>>
        %dma_start3A_107 = arith.constant 0 : i32
        %dma_start3A_108 = arith.constant 0 : i32
        %dma_start3A_109 = tpu.memref_slice %arg11[%run_scoped3A_97, %dma_start3A_107, %dma_start3A_108] : memref<2x125x128xbf16, #tpu.memory_space<vmem>> -> memref<1x125x128xbf16, #tpu.memory_space<vmem>>
        %dma_start3A_110 = tpu.memref_squeeze %dma_start3A_109 : memref<1x125x128xbf16, #tpu.memory_space<vmem>> -> memref<125x128xbf16, #tpu.memory_space<vmem>>
        %dma_start3A_111 = arith.constant 0 : i32
        %dma_start3A_112 = tpu.memref_slice %arg10[%add3A_96, %dma_start3A_111] : memref<80x125xi32, #tpu.memory_space<vmem>> -> memref<1x125xi32, #tpu.memory_space<vmem>>
        %dma_start3A_113 = tpu.memref_squeeze %dma_start3A_112 : memref<1x125xi32, #tpu.memory_space<vmem>> -> memref<125xi32, #tpu.memory_space<vmem>>
        %dma_start3A_114 = arith.constant 0 : i32
        %dma_start3A_115 = arith.constant 0 : i32
        %dma_start3A_116 = tpu.memref_slice %arg13[%dma_start3A_114, %dma_start3A_115] : memref<10000x128xbf16, #tpu.memory_space<vmem_shared>> -> memref<10000x128xbf16, #tpu.memory_space<vmem_shared>>
        tpu.enqueue_indirect_dma source(%dma_start3A_110 : memref<125x128xbf16, #tpu.memory_space<vmem>>) target(%dma_start3A_116 : memref<10000x128xbf16, #tpu.memory_space<vmem_shared>>) offsets(%dma_start3A_113 : memref<125xi32, #tpu.memory_space<vmem>>) semaphore(%run_scoped3A_106 : memref<!tpu.dma_semaphore, #tpu.memory_space<semaphore_mem>>) {add = true}
        %dma_wait3A_117 = arith.constant 0 : i32
        %dma_wait3A_118 = arith.constant 0 : i32
        %dma_wait3A_119 = tpu.memref_slice %arg11[%run_scoped3A_97, %dma_wait3A_117, %dma_wait3A_118] : memref<2x125x128xbf16, #tpu.memory_space<vmem>> -> memref<1x125x128xbf16, #tpu.memory_space<vmem>>
        %dma_wait3A_120 = tpu.memref_squeeze %dma_wait3A_119 : memref<1x125x128xbf16, #tpu.memory_space<vmem>> -> memref<125x128xbf16, #tpu.memory_space<vmem>>
        %dma_wait3A_121 = arith.constant 0 : i32
        %dma_wait3A_122 = tpu.memref_slice %arg10[%add3A_96, %dma_wait3A_121] : memref<80x125xi32, #tpu.memory_space<vmem>> -> memref<1x125xi32, #tpu.memory_space<vmem>>
        %dma_wait3A_123 = tpu.memref_squeeze %dma_wait3A_122 : memref<1x125xi32, #tpu.memory_space<vmem>> -> memref<125xi32, #tpu.memory_space<vmem>>
        %dma_wait3A_124 = arith.constant 0 : i32
        %dma_wait3A_125 = arith.constant 0 : i32
        %dma_wait3A_126 = tpu.memref_slice %arg13[%dma_wait3A_124, %dma_wait3A_125] : memref<10000x128xbf16, #tpu.memory_space<vmem_shared>> -> memref<10000x128xbf16, #tpu.memory_space<vmem_shared>>
        tpu.wait_indirect_dma semaphore(%run_scoped3A_106 : memref<!tpu.dma_semaphore, #tpu.memory_space<semaphore_mem>>) src(%dma_wait3A_120 : memref<125x128xbf16, #tpu.memory_space<vmem>>) dst(%dma_wait3A_126 : memref<10000x128xbf16, #tpu.memory_space<vmem_shared>>)
        tpu.yield
      }) : () -> ()
      %add3A_98 = arith.constant 1 : i32
      %add3A_99 = arith.addi %mul3A_33, %add3A_98 : i32
      %dma_wait3A_100 = arith.constant 0 : i32
      %dma_wait3A_101 = tpu.memref_slice %arg10[%add3A_99, %dma_wait3A_100] : memref<80x125xi32, #tpu.memory_space<vmem>> -> memref<1x125xi32, #tpu.memory_space<vmem>>
      %dma_wait3A_102 = tpu.memref_squeeze %dma_wait3A_101 : memref<1x125xi32, #tpu.memory_space<vmem>> -> memref<125xi32, #tpu.memory_space<vmem>>
      %dma_wait3A_103 = arith.constant 0 : i32
      %dma_wait3A_104 = arith.constant 0 : i32
      %dma_wait3A_105 = tpu.memref_slice %arg14[%dma_wait3A_103, %dma_wait3A_104] : memref<10000x32xbf16, #tpu.memory_space<vmem_shared>> -> memref<10000x32xbf16, #tpu.memory_space<vmem_shared>>
      tpu.wait_indirect_dma semaphore(%arg17 : memref<!tpu.dma_semaphore, #tpu.memory_space<semaphore_mem>>) src(%arg12 : memref<125x32xbf16, #tpu.memory_space<vmem>>) dst(%dma_wait3A_105 : memref<10000x32xbf16, #tpu.memory_space<vmem_shared>>)
    }
    %scan3A_21 = arith.constant 40 : i32
    %barrier3A_22 = arith.constant 0 : index
    tpu.barrier barrier_id(%barrier3A_22)
    %mul3A_23 = arith.constant 625 : i32
    %mul3A_24 = arith.muli %arg1, %mul3A_23 : i32
    %mul3A_25 = arith.constant 625 : i32
    %mul3A_26 = arith.muli %arg1, %mul3A_25 : i32
    "tpu.region"() ({
      %run_scoped3A_31 = tpu.sem_alloc : memref<!tpu.dma_semaphore, #tpu.memory_space<semaphore_mem>>
      %dma_start3A_32 = arith.constant 0 : i32
      %dma_start3A_33 = tpu.memref_slice %arg7[%arg0, %mul3A_26, %dma_start3A_32] : memref<2x10000x128xbf16, #tpu.memory_space<hbm>> -> memref<1x625x128xbf16, #tpu.memory_space<hbm>>
      %dma_start3A_34 = tpu.memref_squeeze %dma_start3A_33 : memref<1x625x128xbf16, #tpu.memory_space<hbm>> -> memref<625x128xbf16, #tpu.memory_space<hbm>>
      %dma_start3A_35 = arith.constant 0 : i32
      %dma_start3A_36 = tpu.memref_slice %arg13[%mul3A_24, %dma_start3A_35] : memref<10000x128xbf16, #tpu.memory_space<vmem_shared>> -> memref<625x128xbf16, #tpu.memory_space<vmem_shared>>
      tpu.enqueue_dma source(%dma_start3A_36 : memref<625x128xbf16, #tpu.memory_space<vmem_shared>>) target(%dma_start3A_34 : memref<625x128xbf16, #tpu.memory_space<hbm>>) target_semaphore(%run_scoped3A_31 : memref<!tpu.dma_semaphore, #tpu.memory_space<semaphore_mem>>)
      %dma_wait3A = arith.constant 0 : i32
      %dma_wait3A_37 = tpu.memref_slice %arg7[%arg0, %mul3A_26, %dma_wait3A] : memref<2x10000x128xbf16, #tpu.memory_space<hbm>> -> memref<1x625x128xbf16, #tpu.memory_space<hbm>>
      %dma_wait3A_38 = tpu.memref_squeeze %dma_wait3A_37 : memref<1x625x128xbf16, #tpu.memory_space<hbm>> -> memref<625x128xbf16, #tpu.memory_space<hbm>>
      %dma_wait3A_39 = arith.constant 0 : i32
      %dma_wait3A_40 = tpu.memref_slice %arg13[%mul3A_24, %dma_wait3A_39] : memref<10000x128xbf16, #tpu.memory_space<vmem_shared>> -> memref<625x128xbf16, #tpu.memory_space<vmem_shared>>
      tpu.wait_dma2 semaphore(%run_scoped3A_31 : memref<!tpu.dma_semaphore, #tpu.memory_space<semaphore_mem>>) src(%dma_wait3A_40 : memref<625x128xbf16, #tpu.memory_space<vmem_shared>>) dst(%dma_wait3A_38 : memref<625x128xbf16, #tpu.memory_space<hbm>>)
      tpu.yield
    }) : () -> ()
    %mul3A_27 = arith.constant 625 : i32
    %mul3A_28 = arith.muli %arg1, %mul3A_27 : i32
    %mul3A_29 = arith.constant 625 : i32
    %mul3A_30 = arith.muli %arg1, %mul3A_29 : i32
    "tpu.region"() ({
      %run_scoped3A_31 = tpu.sem_alloc : memref<!tpu.dma_semaphore, #tpu.memory_space<semaphore_mem>>
      %dma_start3A_32 = arith.constant 0 : i32
      %dma_start3A_33 = tpu.memref_slice %arg8[%arg0, %mul3A_30, %dma_start3A_32] : memref<2x10000x32xbf16, #tpu.memory_space<hbm>> -> memref<1x625x32xbf16, #tpu.memory_space<hbm>>
      %dma_start3A_34 = tpu.memref_squeeze %dma_start3A_33 : memref<1x625x32xbf16, #tpu.memory_space<hbm>> -> memref<625x32xbf16, #tpu.memory_space<hbm>>
      %dma_start3A_35 = arith.constant 0 : i32
      %dma_start3A_36 = tpu.memref_slice %arg14[%mul3A_28, %dma_start3A_35] : memref<10000x32xbf16, #tpu.memory_space<vmem_shared>> -> memref<625x32xbf16, #tpu.memory_space<vmem_shared>>
      tpu.enqueue_dma source(%dma_start3A_36 : memref<625x32xbf16, #tpu.memory_space<vmem_shared>>) target(%dma_start3A_34 : memref<625x32xbf16, #tpu.memory_space<hbm>>) target_semaphore(%run_scoped3A_31 : memref<!tpu.dma_semaphore, #tpu.memory_space<semaphore_mem>>)
      %dma_wait3A = arith.constant 0 : i32
      %dma_wait3A_37 = tpu.memref_slice %arg8[%arg0, %mul3A_30, %dma_wait3A] : memref<2x10000x32xbf16, #tpu.memory_space<hbm>> -> memref<1x625x32xbf16, #tpu.memory_space<hbm>>
      %dma_wait3A_38 = tpu.memref_squeeze %dma_wait3A_37 : memref<1x625x32xbf16, #tpu.memory_space<hbm>> -> memref<625x32xbf16, #tpu.memory_space<hbm>>
      %dma_wait3A_39 = arith.constant 0 : i32
      %dma_wait3A_40 = tpu.memref_slice %arg14[%mul3A_28, %dma_wait3A_39] : memref<10000x32xbf16, #tpu.memory_space<vmem_shared>> -> memref<625x32xbf16, #tpu.memory_space<vmem_shared>>
      tpu.wait_dma2 semaphore(%run_scoped3A_31 : memref<!tpu.dma_semaphore, #tpu.memory_space<semaphore_mem>>) src(%dma_wait3A_40 : memref<625x32xbf16, #tpu.memory_space<vmem_shared>>) dst(%dma_wait3A_38 : memref<625x32xbf16, #tpu.memory_space<hbm>>)
      tpu.yield
    }) : () -> ()
    return
  }
}

#map = affine_map<(d0, d1) -> (0, 0)>
#map1 = affine_map<(d0, d1) -> (0, 0, 0, 0)>
#map2 = affine_map<(d0, d1) -> (0, 0, 0)>
module attributes {stable_mosaic.version = 14 : i64} {
  func.func @seg_sum(%arg0: i32, %arg1: i32, %arg2: memref<10000x128xbf16, #tpu.memory_space<hbm>>, %arg3: memref<2x32x80x125xi32, #tpu.memory_space<hbm>>, %arg4: memref<625x128xbf16, #tpu.memory_space<hbm>>, %arg5: memref<625x32xbf16, #tpu.memory_space<hbm>>, %arg6: memref<125x32xbf16, #tpu.memory_space<hbm>>, %arg7: memref<2x10000x128xbf16, #tpu.memory_space<hbm>>, %arg8: memref<2x10000x32xbf16, #tpu.memory_space<hbm>>, %arg9: memref<80x125xi32, #tpu.memory_space<vmem>>, %arg10: memref<80x125xi32, #tpu.memory_space<vmem>>, %arg11: memref<2x125x128xbf16, #tpu.memory_space<vmem>>, %arg12: memref<125x32xbf16, #tpu.memory_space<vmem>>, %arg13: memref<10000x128xbf16, #tpu.memory_space<vmem_shared>>, %arg14: memref<10000x32xbf16, #tpu.memory_space<vmem_shared>>, %arg15: memref<!tpu.dma_semaphore, #tpu.memory_space<semaphore_mem>>, %arg16: memref<!tpu.dma_semaphore, #tpu.memory_space<semaphore_mem>>, %arg17: memref<!tpu.dma_semaphore, #tpu.memory_space<semaphore_mem>>) attributes {dimension_semantics = [#tpu.dimension_semantics<core_parallel>, #tpu.dimension_semantics<subcore_parallel>], iteration_bounds = array<i64: 2, 16>, scalar_prefetch = 0 : i64, scratch_operands = 9 : i64, tpu.core_type = #tpu.core_type<sc_vector_subcore>, window_params = [{transform_indices = #map}, {transform_indices = #map1}, {transform_indices = #map}, {transform_indices = #map}, {transform_indices = #map}, {transform_indices = #map2}, {transform_indices = #map2}]} {
    %mul3A = arith.constant 16 : i32
    %mul3A_0 = arith.muli %arg0, %mul3A : i32
    %add3A = arith.addi %mul3A_0, %arg1 : i32
    %mul3A_1 = arith.constant 625 : i32
    %mul3A_2 = arith.muli %arg1, %mul3A_1 : i32
    "tpu.region"() ({
      %run_scoped3A_31 = tpu.sem_alloc : memref<!tpu.dma_semaphore, #tpu.memory_space<semaphore_mem>>
      %dma_start3A_32 = arith.constant 0 : i32
      %dma_start3A_33 = tpu.memref_slice %arg13[%mul3A_2, %dma_start3A_32] : memref<10000x128xbf16, #tpu.memory_space<vmem_shared>> -> memref<625x128xbf16, #tpu.memory_space<vmem_shared>>
      tpu.enqueue_dma source(%arg4 : memref<625x128xbf16, #tpu.memory_space<hbm>>) target(%dma_start3A_33 : memref<625x128xbf16, #tpu.memory_space<vmem_shared>>) target_semaphore(%run_scoped3A_31 : memref<!tpu.dma_semaphore, #tpu.memory_space<semaphore_mem>>)
      %dma_wait3A = arith.constant 0 : i32
      %dma_wait3A_34 = tpu.memref_slice %arg13[%mul3A_2, %dma_wait3A] : memref<10000x128xbf16, #tpu.memory_space<vmem_shared>> -> memref<625x128xbf16, #tpu.memory_space<vmem_shared>>
      tpu.wait_dma2 semaphore(%run_scoped3A_31 : memref<!tpu.dma_semaphore, #tpu.memory_space<semaphore_mem>>) src(%arg4 : memref<625x128xbf16, #tpu.memory_space<hbm>>) dst(%dma_wait3A_34 : memref<625x128xbf16, #tpu.memory_space<vmem_shared>>)
      tpu.yield
    }) : () -> ()
    %mul3A_3 = arith.constant 625 : i32
    %mul3A_4 = arith.muli %arg1, %mul3A_3 : i32
    "tpu.region"() ({
      %run_scoped3A_31 = tpu.sem_alloc : memref<!tpu.dma_semaphore, #tpu.memory_space<semaphore_mem>>
      %dma_start3A_32 = arith.constant 0 : i32
      %dma_start3A_33 = tpu.memref_slice %arg14[%mul3A_4, %dma_start3A_32] : memref<10000x32xbf16, #tpu.memory_space<vmem_shared>> -> memref<625x32xbf16, #tpu.memory_space<vmem_shared>>
      tpu.enqueue_dma source(%arg5 : memref<625x32xbf16, #tpu.memory_space<hbm>>) target(%dma_start3A_33 : memref<625x32xbf16, #tpu.memory_space<vmem_shared>>) target_semaphore(%run_scoped3A_31 : memref<!tpu.dma_semaphore, #tpu.memory_space<semaphore_mem>>)
      %dma_wait3A = arith.constant 0 : i32
      %dma_wait3A_34 = tpu.memref_slice %arg14[%mul3A_4, %dma_wait3A] : memref<10000x32xbf16, #tpu.memory_space<vmem_shared>> -> memref<625x32xbf16, #tpu.memory_space<vmem_shared>>
      tpu.wait_dma2 semaphore(%run_scoped3A_31 : memref<!tpu.dma_semaphore, #tpu.memory_space<semaphore_mem>>) src(%arg5 : memref<625x32xbf16, #tpu.memory_space<hbm>>) dst(%dma_wait3A_34 : memref<625x32xbf16, #tpu.memory_space<vmem_shared>>)
      tpu.yield
    }) : () -> ()
    "tpu.region"() ({
      %run_scoped3A_31 = tpu.sem_alloc : memref<!tpu.dma_semaphore, #tpu.memory_space<semaphore_mem>>
      tpu.enqueue_dma source(%arg6 : memref<125x32xbf16, #tpu.memory_space<hbm>>) target(%arg12 : memref<125x32xbf16, #tpu.memory_space<vmem>>) target_semaphore(%run_scoped3A_31 : memref<!tpu.dma_semaphore, #tpu.memory_space<semaphore_mem>>)
      tpu.wait_dma2 semaphore(%run_scoped3A_31 : memref<!tpu.dma_semaphore, #tpu.memory_space<semaphore_mem>>) src(%arg6 : memref<125x32xbf16, #tpu.memory_space<hbm>>) dst(%arg12 : memref<125x32xbf16, #tpu.memory_space<vmem>>)
      tpu.yield
    }) : () -> ()
    %run_scoped3A = arith.constant 0 : i32
    "tpu.region"() ({
      %run_scoped3A_31 = tpu.sem_alloc : memref<!tpu.dma_semaphore, #tpu.memory_space<semaphore_mem>>
      %dma_start3A_32 = arith.constant 0 : i32
      %dma_start3A_33 = arith.constant 0 : i32
      %dma_start3A_34 = tpu.memref_slice %arg3[%run_scoped3A, %add3A, %dma_start3A_32, %dma_start3A_33] : memref<2x32x80x125xi32, #tpu.memory_space<hbm>> -> memref<1x1x80x125xi32, #tpu.memory_space<hbm>>
      %dma_start3A_35 = tpu.memref_squeeze %dma_start3A_34 : memref<1x1x80x125xi32, #tpu.memory_space<hbm>> -> memref<80x125xi32, #tpu.memory_space<hbm>>
      %dma_start3A_36 = arith.constant 0 : i32
      %dma_start3A_37 = arith.constant 0 : i32
      %dma_start3A_38 = tpu.memref_slice %arg3[%run_scoped3A, %add3A, %dma_start3A_36, %dma_start3A_37] : memref<2x32x80x125xi32, #tpu.memory_space<hbm>> -> memref<1x1x80x125xi32, #tpu.memory_space<hbm>>
      %dma_start3A_39 = tpu.memref_squeeze %dma_start3A_38 : memref<1x1x80x125xi32, #tpu.memory_space<hbm>> -> memref<80x125xi32, #tpu.memory_space<hbm>>
      tpu.enqueue_dma source(%dma_start3A_39 : memref<80x125xi32, #tpu.memory_space<hbm>>) target(%arg9 : memref<80x125xi32, #tpu.memory_space<vmem>>) target_semaphore(%run_scoped3A_31 : memref<!tpu.dma_semaphore, #tpu.memory_space<semaphore_mem>>)
      %dma_wait3A = arith.constant 0 : i32
      %dma_wait3A_40 = arith.constant 0 : i32
      %dma_wait3A_41 = tpu.memref_slice %arg3[%run_scoped3A, %add3A, %dma_wait3A, %dma_wait3A_40] : memref<2x32x80x125xi32, #tpu.memory_space<hbm>> -> memref<1x1x80x125xi32, #tpu.memory_space<hbm>>
      %dma_wait3A_42 = tpu.memref_squeeze %dma_wait3A_41 : memref<1x1x80x125xi32, #tpu.memory_space<hbm>> -> memref<80x125xi32, #tpu.memory_space<hbm>>
      %dma_wait3A_43 = arith.constant 0 : i32
      %dma_wait3A_44 = arith.constant 0 : i32
      %dma_wait3A_45 = tpu.memref_slice %arg3[%run_scoped3A, %add3A, %dma_wait3A_43, %dma_wait3A_44] : memref<2x32x80x125xi32, #tpu.memory_space<hbm>> -> memref<1x1x80x125xi32, #tpu.memory_space<hbm>>
      %dma_wait3A_46 = tpu.memref_squeeze %dma_wait3A_45 : memref<1x1x80x125xi32, #tpu.memory_space<hbm>> -> memref<80x125xi32, #tpu.memory_space<hbm>>
      tpu.wait_dma2 semaphore(%run_scoped3A_31 : memref<!tpu.dma_semaphore, #tpu.memory_space<semaphore_mem>>) src(%dma_wait3A_46 : memref<80x125xi32, #tpu.memory_space<hbm>>) dst(%arg9 : memref<80x125xi32, #tpu.memory_space<vmem>>)
      tpu.yield
    }) : () -> ()
    %run_scoped3A_5 = arith.constant 1 : i32
    "tpu.region"() ({
      %run_scoped3A_31 = tpu.sem_alloc : memref<!tpu.dma_semaphore, #tpu.memory_space<semaphore_mem>>
      %dma_start3A_32 = arith.constant 0 : i32
      %dma_start3A_33 = arith.constant 0 : i32
      %dma_start3A_34 = tpu.memref_slice %arg3[%run_scoped3A_5, %add3A, %dma_start3A_32, %dma_start3A_33] : memref<2x32x80x125xi32, #tpu.memory_space<hbm>> -> memref<1x1x80x125xi32, #tpu.memory_space<hbm>>
      %dma_start3A_35 = tpu.memref_squeeze %dma_start3A_34 : memref<1x1x80x125xi32, #tpu.memory_space<hbm>> -> memref<80x125xi32, #tpu.memory_space<hbm>>
      %dma_start3A_36 = arith.constant 0 : i32
      %dma_start3A_37 = arith.constant 0 : i32
      %dma_start3A_38 = tpu.memref_slice %arg3[%run_scoped3A_5, %add3A, %dma_start3A_36, %dma_start3A_37] : memref<2x32x80x125xi32, #tpu.memory_space<hbm>> -> memref<1x1x80x125xi32, #tpu.memory_space<hbm>>
      %dma_start3A_39 = tpu.memref_squeeze %dma_start3A_38 : memref<1x1x80x125xi32, #tpu.memory_space<hbm>> -> memref<80x125xi32, #tpu.memory_space<hbm>>
      tpu.enqueue_dma source(%dma_start3A_39 : memref<80x125xi32, #tpu.memory_space<hbm>>) target(%arg10 : memref<80x125xi32, #tpu.memory_space<vmem>>) target_semaphore(%run_scoped3A_31 : memref<!tpu.dma_semaphore, #tpu.memory_space<semaphore_mem>>)
      %dma_wait3A = arith.constant 0 : i32
      %dma_wait3A_40 = arith.constant 0 : i32
      %dma_wait3A_41 = tpu.memref_slice %arg3[%run_scoped3A_5, %add3A, %dma_wait3A, %dma_wait3A_40] : memref<2x32x80x125xi32, #tpu.memory_space<hbm>> -> memref<1x1x80x125xi32, #tpu.memory_space<hbm>>
      %dma_wait3A_42 = tpu.memref_squeeze %dma_wait3A_41 : memref<1x1x80x125xi32, #tpu.memory_space<hbm>> -> memref<80x125xi32, #tpu.memory_space<hbm>>
      %dma_wait3A_43 = arith.constant 0 : i32
      %dma_wait3A_44 = arith.constant 0 : i32
      %dma_wait3A_45 = tpu.memref_slice %arg3[%run_scoped3A_5, %add3A, %dma_wait3A_43, %dma_wait3A_44] : memref<2x32x80x125xi32, #tpu.memory_space<hbm>> -> memref<1x1x80x125xi32, #tpu.memory_space<hbm>>
      %dma_wait3A_46 = tpu.memref_squeeze %dma_wait3A_45 : memref<1x1x80x125xi32, #tpu.memory_space<hbm>> -> memref<80x125xi32, #tpu.memory_space<hbm>>
      tpu.wait_dma2 semaphore(%run_scoped3A_31 : memref<!tpu.dma_semaphore, #tpu.memory_space<semaphore_mem>>) src(%dma_wait3A_46 : memref<80x125xi32, #tpu.memory_space<hbm>>) dst(%arg10 : memref<80x125xi32, #tpu.memory_space<vmem>>)
      tpu.yield
    }) : () -> ()
    %barrier3A = arith.constant 0 : index
    tpu.barrier barrier_id(%barrier3A)
    %dma_start3A = arith.constant 0 : i32
    %dma_start3A_6 = arith.constant 0 : i32
    %dma_start3A_7 = arith.constant 0 : i32
    %dma_start3A_8 = arith.constant 0 : i32
    %dma_start3A_9 = tpu.memref_slice %arg11[%dma_start3A_6, %dma_start3A_7, %dma_start3A_8] : memref<2x125x128xbf16, #tpu.memory_space<vmem>> -> memref<1x125x128xbf16, #tpu.memory_space<vmem>>
    %dma_start3A_10 = tpu.memref_squeeze %dma_start3A_9 : memref<1x125x128xbf16, #tpu.memory_space<vmem>> -> memref<125x128xbf16, #tpu.memory_space<vmem>>
    %dma_start3A_11 = arith.constant 0 : i32
    %dma_start3A_12 = tpu.memref_slice %arg9[%dma_start3A, %dma_start3A_11] : memref<80x125xi32, #tpu.memory_space<vmem>> -> memref<1x125xi32, #tpu.memory_space<vmem>>
    %dma_start3A_13 = tpu.memref_squeeze %dma_start3A_12 : memref<1x125xi32, #tpu.memory_space<vmem>> -> memref<125xi32, #tpu.memory_space<vmem>>
    %dma_start3A_14 = arith.constant 0 : i32
    %dma_start3A_15 = arith.constant 0 : i32
    %dma_start3A_16 = tpu.memref_slice %arg2[%dma_start3A_14, %dma_start3A_15] : memref<10000x128xbf16, #tpu.memory_space<hbm>> -> memref<10000x128xbf16, #tpu.memory_space<hbm>>
    tpu.enqueue_indirect_dma source(%dma_start3A_16 : memref<10000x128xbf16, #tpu.memory_space<hbm>>) target(%dma_start3A_10 : memref<125x128xbf16, #tpu.memory_space<vmem>>) offsets(%dma_start3A_13 : memref<125xi32, #tpu.memory_space<vmem>>) semaphore(%arg15 : memref<!tpu.dma_semaphore, #tpu.memory_space<semaphore_mem>>)
    %scan3A = arith.constant 0 : i32
    %scan3A_17 = arith.constant 0 : i32
    %scan3A_18 = arith.constant 40 : i32
    %scan3A_19 = arith.addi %scan3A_17, %scan3A_18 : i32
    %scan3A_20 = arith.constant 1 : i32
    scf.for %scan3A_31 = %scan3A_17 to %scan3A_19 step %scan3A_20  : i32 {
      %mul3A_32 = arith.constant 2 : i32
      %mul3A_33 = arith.muli %mul3A_32, %scan3A_31 : i32
      %add3A_34 = arith.constant 1 : i32
      %add3A_35 = arith.addi %mul3A_33, %add3A_34 : i32
      %dma_start3A_36 = arith.constant 1 : i32
      %dma_start3A_37 = arith.constant 0 : i32
      %dma_start3A_38 = arith.constant 0 : i32
      %dma_start3A_39 = tpu.memref_slice %arg11[%dma_start3A_36, %dma_start3A_37, %dma_start3A_38] : memref<2x125x128xbf16, #tpu.memory_space<vmem>> -> memref<1x125x128xbf16, #tpu.memory_space<vmem>>
      %dma_start3A_40 = tpu.memref_squeeze %dma_start3A_39 : memref<1x125x128xbf16, #tpu.memory_space<vmem>> -> memref<125x128xbf16, #tpu.memory_space<vmem>>
      %dma_start3A_41 = arith.constant 0 : i32
      %dma_start3A_42 = tpu.memref_slice %arg9[%add3A_35, %dma_start3A_41] : memref<80x125xi32, #tpu.memory_space<vmem>> -> memref<1x125xi32, #tpu.memory_space<vmem>>
      %dma_start3A_43 = tpu.memref_squeeze %dma_start3A_42 : memref<1x125xi32, #tpu.memory_space<vmem>> -> memref<125xi32, #tpu.memory_space<vmem>>
      %dma_start3A_44 = arith.constant 0 : i32
      %dma_start3A_45 = arith.constant 0 : i32
      %dma_start3A_46 = tpu.memref_slice %arg2[%dma_start3A_44, %dma_start3A_45] : memref<10000x128xbf16, #tpu.memory_space<hbm>> -> memref<10000x128xbf16, #tpu.memory_space<hbm>>
      tpu.enqueue_indirect_dma source(%dma_start3A_46 : memref<10000x128xbf16, #tpu.memory_space<hbm>>) target(%dma_start3A_40 : memref<125x128xbf16, #tpu.memory_space<vmem>>) offsets(%dma_start3A_43 : memref<125xi32, #tpu.memory_space<vmem>>) semaphore(%arg16 : memref<!tpu.dma_semaphore, #tpu.memory_space<semaphore_mem>>)
      %dma_wait3A = arith.constant 0 : i32
      %dma_wait3A_47 = arith.constant 0 : i32
      %dma_wait3A_48 = arith.constant 0 : i32
      %dma_wait3A_49 = tpu.memref_slice %arg11[%dma_wait3A, %dma_wait3A_47, %dma_wait3A_48] : memref<2x125x128xbf16, #tpu.memory_space<vmem>> -> memref<1x125x128xbf16, #tpu.memory_space<vmem>>
      %dma_wait3A_50 = tpu.memref_squeeze %dma_wait3A_49 : memref<1x125x128xbf16, #tpu.memory_space<vmem>> -> memref<125x128xbf16, #tpu.memory_space<vmem>>
      %dma_wait3A_51 = arith.constant 0 : i32
      %dma_wait3A_52 = tpu.memref_slice %arg9[%mul3A_33, %dma_wait3A_51] : memref<80x125xi32, #tpu.memory_space<vmem>> -> memref<1x125xi32, #tpu.memory_space<vmem>>
      %dma_wait3A_53 = tpu.memref_squeeze %dma_wait3A_52 : memref<1x125xi32, #tpu.memory_space<vmem>> -> memref<125xi32, #tpu.memory_space<vmem>>
      %dma_wait3A_54 = arith.constant 0 : i32
      %dma_wait3A_55 = arith.constant 0 : i32
      %dma_wait3A_56 = tpu.memref_slice %arg2[%dma_wait3A_54, %dma_wait3A_55] : memref<10000x128xbf16, #tpu.memory_space<hbm>> -> memref<10000x128xbf16, #tpu.memory_space<hbm>>
      tpu.wait_indirect_dma semaphore(%arg15 : memref<!tpu.dma_semaphore, #tpu.memory_space<semaphore_mem>>) src(%dma_wait3A_56 : memref<10000x128xbf16, #tpu.memory_space<hbm>>) dst(%dma_wait3A_50 : memref<125x128xbf16, #tpu.memory_space<vmem>>)
      %dma_start3A_57 = arith.constant 0 : i32
      %dma_start3A_58 = tpu.memref_slice %arg10[%mul3A_33, %dma_start3A_57] : memref<80x125xi32, #tpu.memory_space<vmem>> -> memref<1x125xi32, #tpu.memory_space<vmem>>
      %dma_start3A_59 = tpu.memref_squeeze %dma_start3A_58 : memref<1x125xi32, #tpu.memory_space<vmem>> -> memref<125xi32, #tpu.memory_space<vmem>>
      %dma_start3A_60 = arith.constant 0 : i32
      %dma_start3A_61 = arith.constant 0 : i32
      %dma_start3A_62 = tpu.memref_slice %arg14[%dma_start3A_60, %dma_start3A_61] : memref<10000x32xbf16, #tpu.memory_space<vmem_shared>> -> memref<10000x32xbf16, #tpu.memory_space<vmem_shared>>
      tpu.enqueue_indirect_dma source(%arg12 : memref<125x32xbf16, #tpu.memory_space<vmem>>) target(%dma_start3A_62 : memref<10000x32xbf16, #tpu.memory_space<vmem_shared>>) offsets(%dma_start3A_59 : memref<125xi32, #tpu.memory_space<vmem>>) semaphore(%arg17 : memref<!tpu.dma_semaphore, #tpu.memory_space<semaphore_mem>>) {add = true}
      %run_scoped3A_63 = arith.constant 0 : i32
      "tpu.region"() ({
        %run_scoped3A_106 = tpu.sem_alloc : memref<!tpu.dma_semaphore, #tpu.memory_space<semaphore_mem>>
        %dma_start3A_107 = arith.constant 0 : i32
        %dma_start3A_108 = arith.constant 0 : i32
        %dma_start3A_109 = tpu.memref_slice %arg11[%run_scoped3A_63, %dma_start3A_107, %dma_start3A_108] : memref<2x125x128xbf16, #tpu.memory_space<vmem>> -> memref<1x125x128xbf16, #tpu.memory_space<vmem>>
        %dma_start3A_110 = tpu.memref_squeeze %dma_start3A_109 : memref<1x125x128xbf16, #tpu.memory_space<vmem>> -> memref<125x128xbf16, #tpu.memory_space<vmem>>
        %dma_start3A_111 = arith.constant 0 : i32
        %dma_start3A_112 = tpu.memref_slice %arg10[%mul3A_33, %dma_start3A_111] : memref<80x125xi32, #tpu.memory_space<vmem>> -> memref<1x125xi32, #tpu.memory_space<vmem>>
        %dma_start3A_113 = tpu.memref_squeeze %dma_start3A_112 : memref<1x125xi32, #tpu.memory_space<vmem>> -> memref<125xi32, #tpu.memory_space<vmem>>
        %dma_start3A_114 = arith.constant 0 : i32
        %dma_start3A_115 = arith.constant 0 : i32
        %dma_start3A_116 = tpu.memref_slice %arg13[%dma_start3A_114, %dma_start3A_115] : memref<10000x128xbf16, #tpu.memory_space<vmem_shared>> -> memref<10000x128xbf16, #tpu.memory_space<vmem_shared>>
        tpu.enqueue_indirect_dma source(%dma_start3A_110 : memref<125x128xbf16, #tpu.memory_space<vmem>>) target(%dma_start3A_116 : memref<10000x128xbf16, #tpu.memory_space<vmem_shared>>) offsets(%dma_start3A_113 : memref<125xi32, #tpu.memory_space<vmem>>) semaphore(%run_scoped3A_106 : memref<!tpu.dma_semaphore, #tpu.memory_space<semaphore_mem>>) {add = true}
        %dma_wait3A_117 = arith.constant 0 : i32
        %dma_wait3A_118 = arith.constant 0 : i32
        %dma_wait3A_119 = tpu.memref_slice %arg11[%run_scoped3A_63, %dma_wait3A_117, %dma_wait3A_118] : memref<2x125x128xbf16, #tpu.memory_space<vmem>> -> memref<1x125x128xbf16, #tpu.memory_space<vmem>>
        %dma_wait3A_120 = tpu.memref_squeeze %dma_wait3A_119 : memref<1x125x128xbf16, #tpu.memory_space<vmem>> -> memref<125x128xbf16, #tpu.memory_space<vmem>>
        %dma_wait3A_121 = arith.constant 0 : i32
        %dma_wait3A_122 = tpu.memref_slice %arg10[%mul3A_33, %dma_wait3A_121] : memref<80x125xi32, #tpu.memory_space<vmem>> -> memref<1x125xi32, #tpu.memory_space<vmem>>
        %dma_wait3A_123 = tpu.memref_squeeze %dma_wait3A_122 : memref<1x125xi32, #tpu.memory_space<vmem>> -> memref<125xi32, #tpu.memory_space<vmem>>
        %dma_wait3A_124 = arith.constant 0 : i32
        %dma_wait3A_125 = arith.constant 0 : i32
        %dma_wait3A_126 = tpu.memref_slice %arg13[%dma_wait3A_124, %dma_wait3A_125] : memref<10000x128xbf16, #tpu.memory_space<vmem_shared>> -> memref<10000x128xbf16, #tpu.memory_space<vmem_shared>>
        tpu.wait_indirect_dma semaphore(%run_scoped3A_106 : memref<!tpu.dma_semaphore, #tpu.memory_space<semaphore_mem>>) src(%dma_wait3A_120 : memref<125x128xbf16, #tpu.memory_space<vmem>>) dst(%dma_wait3A_126 : memref<10000x128xbf16, #tpu.memory_space<vmem_shared>>)
        tpu.yield
      }) : () -> ()
      %dma_wait3A_64 = arith.constant 0 : i32
      %dma_wait3A_65 = tpu.memref_slice %arg10[%mul3A_33, %dma_wait3A_64] : memref<80x125xi32, #tpu.memory_space<vmem>> -> memref<1x125xi32, #tpu.memory_space<vmem>>
      %dma_wait3A_66 = tpu.memref_squeeze %dma_wait3A_65 : memref<1x125xi32, #tpu.memory_space<vmem>> -> memref<125xi32, #tpu.memory_space<vmem>>
      %dma_wait3A_67 = arith.constant 0 : i32
      %dma_wait3A_68 = arith.constant 0 : i32
      %dma_wait3A_69 = tpu.memref_slice %arg14[%dma_wait3A_67, %dma_wait3A_68] : memref<10000x32xbf16, #tpu.memory_space<vmem_shared>> -> memref<10000x32xbf16, #tpu.memory_space<vmem_shared>>
      tpu.wait_indirect_dma semaphore(%arg17 : memref<!tpu.dma_semaphore, #tpu.memory_space<semaphore_mem>>) src(%arg12 : memref<125x32xbf16, #tpu.memory_space<vmem>>) dst(%dma_wait3A_69 : memref<10000x32xbf16, #tpu.memory_space<vmem_shared>>)
      %add3A_70 = arith.constant 2 : i32
      %add3A_71 = arith.addi %mul3A_33, %add3A_70 : i32
      %lt3A = arith.constant 80 : i32
      %lt3A_72 = arith.cmpi slt, %add3A_71, %lt3A : i32
      %convert_element_type3A = arith.extui %lt3A_72 : i1 to i32
      %cond3A = arith.constant 0 : i32
      %cond3A_73 = arith.cmpi ne, %convert_element_type3A, %cond3A : i32
      scf.if %cond3A_73 {
        %add3A_106 = arith.constant 2 : i32
        %add3A_107 = arith.addi %mul3A_33, %add3A_106 : i32
        %dma_start3A_108 = arith.constant 0 : i32
        %dma_start3A_109 = arith.constant 0 : i32
        %dma_start3A_110 = arith.constant 0 : i32
        %dma_start3A_111 = tpu.memref_slice %arg11[%dma_start3A_108, %dma_start3A_109, %dma_start3A_110] : memref<2x125x128xbf16, #tpu.memory_space<vmem>> -> memref<1x125x128xbf16, #tpu.memory_space<vmem>>
        %dma_start3A_112 = tpu.memref_squeeze %dma_start3A_111 : memref<1x125x128xbf16, #tpu.memory_space<vmem>> -> memref<125x128xbf16, #tpu.memory_space<vmem>>
        %dma_start3A_113 = arith.constant 0 : i32
        %dma_start3A_114 = tpu.memref_slice %arg9[%add3A_107, %dma_start3A_113] : memref<80x125xi32, #tpu.memory_space<vmem>> -> memref<1x125xi32, #tpu.memory_space<vmem>>
        %dma_start3A_115 = tpu.memref_squeeze %dma_start3A_114 : memref<1x125xi32, #tpu.memory_space<vmem>> -> memref<125xi32, #tpu.memory_space<vmem>>
        %dma_start3A_116 = arith.constant 0 : i32
        %dma_start3A_117 = arith.constant 0 : i32
        %dma_start3A_118 = tpu.memref_slice %arg2[%dma_start3A_116, %dma_start3A_117] : memref<10000x128xbf16, #tpu.memory_space<hbm>> -> memref<10000x128xbf16, #tpu.memory_space<hbm>>
        tpu.enqueue_indirect_dma source(%dma_start3A_118 : memref<10000x128xbf16, #tpu.memory_space<hbm>>) target(%dma_start3A_112 : memref<125x128xbf16, #tpu.memory_space<vmem>>) offsets(%dma_start3A_115 : memref<125xi32, #tpu.memory_space<vmem>>) semaphore(%arg15 : memref<!tpu.dma_semaphore, #tpu.memory_space<semaphore_mem>>)
      } else {
      }
      %add3A_74 = arith.constant 1 : i32
      %add3A_75 = arith.addi %mul3A_33, %add3A_74 : i32
      %dma_wait3A_76 = arith.constant 1 : i32
      %dma_wait3A_77 = arith.constant 0 : i32
      %dma_wait3A_78 = arith.constant 0 : i32
      %dma_wait3A_79 = tpu.memref_slice %arg11[%dma_wait3A_76, %dma_wait3A_77, %dma_wait3A_78] : memref<2x125x128xbf16, #tpu.memory_space<vmem>> -> memref<1x125x128xbf16, #tpu.memory_space<vmem>>
      %dma_wait3A_80 = tpu.memref_squeeze %dma_wait3A_79 : memref<1x125x128xbf16, #tpu.memory_space<vmem>> -> memref<125x128xbf16, #tpu.memory_space<vmem>>
      %dma_wait3A_81 = arith.constant 0 : i32
      %dma_wait3A_82 = tpu.memref_slice %arg9[%add3A_75, %dma_wait3A_81] : memref<80x125xi32, #tpu.memory_space<vmem>> -> memref<1x125xi32, #tpu.memory_space<vmem>>
      %dma_wait3A_83 = tpu.memref_squeeze %dma_wait3A_82 : memref<1x125xi32, #tpu.memory_space<vmem>> -> memref<125xi32, #tpu.memory_space<vmem>>
      %dma_wait3A_84 = arith.constant 0 : i32
      %dma_wait3A_85 = arith.constant 0 : i32
      %dma_wait3A_86 = tpu.memref_slice %arg2[%dma_wait3A_84, %dma_wait3A_85] : memref<10000x128xbf16, #tpu.memory_space<hbm>> -> memref<10000x128xbf16, #tpu.memory_space<hbm>>
      tpu.wait_indirect_dma semaphore(%arg16 : memref<!tpu.dma_semaphore, #tpu.memory_space<semaphore_mem>>) src(%dma_wait3A_86 : memref<10000x128xbf16, #tpu.memory_space<hbm>>) dst(%dma_wait3A_80 : memref<125x128xbf16, #tpu.memory_space<vmem>>)
      %add3A_87 = arith.constant 1 : i32
      %add3A_88 = arith.addi %mul3A_33, %add3A_87 : i32
      %dma_start3A_89 = arith.constant 0 : i32
      %dma_start3A_90 = tpu.memref_slice %arg10[%add3A_88, %dma_start3A_89] : memref<80x125xi32, #tpu.memory_space<vmem>> -> memref<1x125xi32, #tpu.memory_space<vmem>>
      %dma_start3A_91 = tpu.memref_squeeze %dma_start3A_90 : memref<1x125xi32, #tpu.memory_space<vmem>> -> memref<125xi32, #tpu.memory_space<vmem>>
      %dma_start3A_92 = arith.constant 0 : i32
      %dma_start3A_93 = arith.constant 0 : i32
      %dma_start3A_94 = tpu.memref_slice %arg14[%dma_start3A_92, %dma_start3A_93] : memref<10000x32xbf16, #tpu.memory_space<vmem_shared>> -> memref<10000x32xbf16, #tpu.memory_space<vmem_shared>>
      tpu.enqueue_indirect_dma source(%arg12 : memref<125x32xbf16, #tpu.memory_space<vmem>>) target(%dma_start3A_94 : memref<10000x32xbf16, #tpu.memory_space<vmem_shared>>) offsets(%dma_start3A_91 : memref<125xi32, #tpu.memory_space<vmem>>) semaphore(%arg17 : memref<!tpu.dma_semaphore, #tpu.memory_space<semaphore_mem>>) {add = true}
      %add3A_95 = arith.constant 1 : i32
      %add3A_96 = arith.addi %mul3A_33, %add3A_95 : i32
      %run_scoped3A_97 = arith.constant 1 : i32
      "tpu.region"() ({
        %run_scoped3A_106 = tpu.sem_alloc : memref<!tpu.dma_semaphore, #tpu.memory_space<semaphore_mem>>
        %dma_start3A_107 = arith.constant 0 : i32
        %dma_start3A_108 = arith.constant 0 : i32
        %dma_start3A_109 = tpu.memref_slice %arg11[%run_scoped3A_97, %dma_start3A_107, %dma_start3A_108] : memref<2x125x128xbf16, #tpu.memory_space<vmem>> -> memref<1x125x128xbf16, #tpu.memory_space<vmem>>
        %dma_start3A_110 = tpu.memref_squeeze %dma_start3A_109 : memref<1x125x128xbf16, #tpu.memory_space<vmem>> -> memref<125x128xbf16, #tpu.memory_space<vmem>>
        %dma_start3A_111 = arith.constant 0 : i32
        %dma_start3A_112 = tpu.memref_slice %arg10[%add3A_96, %dma_start3A_111] : memref<80x125xi32, #tpu.memory_space<vmem>> -> memref<1x125xi32, #tpu.memory_space<vmem>>
        %dma_start3A_113 = tpu.memref_squeeze %dma_start3A_112 : memref<1x125xi32, #tpu.memory_space<vmem>> -> memref<125xi32, #tpu.memory_space<vmem>>
        %dma_start3A_114 = arith.constant 0 : i32
        %dma_start3A_115 = arith.constant 0 : i32
        %dma_start3A_116 = tpu.memref_slice %arg13[%dma_start3A_114, %dma_start3A_115] : memref<10000x128xbf16, #tpu.memory_space<vmem_shared>> -> memref<10000x128xbf16, #tpu.memory_space<vmem_shared>>
        tpu.enqueue_indirect_dma source(%dma_start3A_110 : memref<125x128xbf16, #tpu.memory_space<vmem>>) target(%dma_start3A_116 : memref<10000x128xbf16, #tpu.memory_space<vmem_shared>>) offsets(%dma_start3A_113 : memref<125xi32, #tpu.memory_space<vmem>>) semaphore(%run_scoped3A_106 : memref<!tpu.dma_semaphore, #tpu.memory_space<semaphore_mem>>) {add = true}
        %dma_wait3A_117 = arith.constant 0 : i32
        %dma_wait3A_118 = arith.constant 0 : i32
        %dma_wait3A_119 = tpu.memref_slice %arg11[%run_scoped3A_97, %dma_wait3A_117, %dma_wait3A_118] : memref<2x125x128xbf16, #tpu.memory_space<vmem>> -> memref<1x125x128xbf16, #tpu.memory_space<vmem>>
        %dma_wait3A_120 = tpu.memref_squeeze %dma_wait3A_119 : memref<1x125x128xbf16, #tpu.memory_space<vmem>> -> memref<125x128xbf16, #tpu.memory_space<vmem>>
        %dma_wait3A_121 = arith.constant 0 : i32
        %dma_wait3A_122 = tpu.memref_slice %arg10[%add3A_96, %dma_wait3A_121] : memref<80x125xi32, #tpu.memory_space<vmem>> -> memref<1x125xi32, #tpu.memory_space<vmem>>
        %dma_wait3A_123 = tpu.memref_squeeze %dma_wait3A_122 : memref<1x125xi32, #tpu.memory_space<vmem>> -> memref<125xi32, #tpu.memory_space<vmem>>
        %dma_wait3A_124 = arith.constant 0 : i32
        %dma_wait3A_125 = arith.constant 0 : i32
        %dma_wait3A_126 = tpu.memref_slice %arg13[%dma_wait3A_124, %dma_wait3A_125] : memref<10000x128xbf16, #tpu.memory_space<vmem_shared>> -> memref<10000x128xbf16, #tpu.memory_space<vmem_shared>>
        tpu.wait_indirect_dma semaphore(%run_scoped3A_106 : memref<!tpu.dma_semaphore, #tpu.memory_space<semaphore_mem>>) src(%dma_wait3A_120 : memref<125x128xbf16, #tpu.memory_space<vmem>>) dst(%dma_wait3A_126 : memref<10000x128xbf16, #tpu.memory_space<vmem_shared>>)
        tpu.yield
      }) : () -> ()
      %add3A_98 = arith.constant 1 : i32
      %add3A_99 = arith.addi %mul3A_33, %add3A_98 : i32
      %dma_wait3A_100 = arith.constant 0 : i32
      %dma_wait3A_101 = tpu.memref_slice %arg10[%add3A_99, %dma_wait3A_100] : memref<80x125xi32, #tpu.memory_space<vmem>> -> memref<1x125xi32, #tpu.memory_space<vmem>>
      %dma_wait3A_102 = tpu.memref_squeeze %dma_wait3A_101 : memref<1x125xi32, #tpu.memory_space<vmem>> -> memref<125xi32, #tpu.memory_space<vmem>>
      %dma_wait3A_103 = arith.constant 0 : i32
      %dma_wait3A_104 = arith.constant 0 : i32
      %dma_wait3A_105 = tpu.memref_slice %arg14[%dma_wait3A_103, %dma_wait3A_104] : memref<10000x32xbf16, #tpu.memory_space<vmem_shared>> -> memref<10000x32xbf16, #tpu.memory_space<vmem_shared>>
      tpu.wait_indirect_dma semaphore(%arg17 : memref<!tpu.dma_semaphore, #tpu.memory_space<semaphore_mem>>) src(%arg12 : memref<125x32xbf16, #tpu.memory_space<vmem>>) dst(%dma_wait3A_105 : memref<10000x32xbf16, #tpu.memory_space<vmem_shared>>)
    }
    %scan3A_21 = arith.constant 40 : i32
    %barrier3A_22 = arith.constant 0 : index
    tpu.barrier barrier_id(%barrier3A_22)
    %mul3A_23 = arith.constant 625 : i32
    %mul3A_24 = arith.muli %arg1, %mul3A_23 : i32
    %mul3A_25 = arith.constant 625 : i32
    %mul3A_26 = arith.muli %arg1, %mul3A_25 : i32
    "tpu.region"() ({
      %run_scoped3A_31 = tpu.sem_alloc : memref<!tpu.dma_semaphore, #tpu.memory_space<semaphore_mem>>
      %dma_start3A_32 = arith.constant 0 : i32
      %dma_start3A_33 = tpu.memref_slice %arg7[%arg0, %mul3A_26, %dma_start3A_32] : memref<2x10000x128xbf16, #tpu.memory_space<hbm>> -> memref<1x625x128xbf16, #tpu.memory_space<hbm>>
      %dma_start3A_34 = tpu.memref_squeeze %dma_start3A_33 : memref<1x625x128xbf16, #tpu.memory_space<hbm>> -> memref<625x128xbf16, #tpu.memory_space<hbm>>
      %dma_start3A_35 = arith.constant 0 : i32
      %dma_start3A_36 = tpu.memref_slice %arg13[%mul3A_24, %dma_start3A_35] : memref<10000x128xbf16, #tpu.memory_space<vmem_shared>> -> memref<625x128xbf16, #tpu.memory_space<vmem_shared>>
      tpu.enqueue_dma source(%dma_start3A_36 : memref<625x128xbf16, #tpu.memory_space<vmem_shared>>) target(%dma_start3A_34 : memref<625x128xbf16, #tpu.memory_space<hbm>>) target_semaphore(%run_scoped3A_31 : memref<!tpu.dma_semaphore, #tpu.memory_space<semaphore_mem>>)
      %dma_wait3A = arith.constant 0 : i32
      %dma_wait3A_37 = tpu.memref_slice %arg7[%arg0, %mul3A_26, %dma_wait3A] : memref<2x10000x128xbf16, #tpu.memory_space<hbm>> -> memref<1x625x128xbf16, #tpu.memory_space<hbm>>
      %dma_wait3A_38 = tpu.memref_squeeze %dma_wait3A_37 : memref<1x625x128xbf16, #tpu.memory_space<hbm>> -> memref<625x128xbf16, #tpu.memory_space<hbm>>
      %dma_wait3A_39 = arith.constant 0 : i32
      %dma_wait3A_40 = tpu.memref_slice %arg13[%mul3A_24, %dma_wait3A_39] : memref<10000x128xbf16, #tpu.memory_space<vmem_shared>> -> memref<625x128xbf16, #tpu.memory_space<vmem_shared>>
      tpu.wait_dma2 semaphore(%run_scoped3A_31 : memref<!tpu.dma_semaphore, #tpu.memory_space<semaphore_mem>>) src(%dma_wait3A_40 : memref<625x128xbf16, #tpu.memory_space<vmem_shared>>) dst(%dma_wait3A_38 : memref<625x128xbf16, #tpu.memory_space<hbm>>)
      tpu.yield
    }) : () -> ()
    %mul3A_27 = arith.constant 625 : i32
    %mul3A_28 = arith.muli %arg1, %mul3A_27 : i32
    %mul3A_29 = arith.constant 625 : i32
    %mul3A_30 = arith.muli %arg1, %mul3A_29 : i32
    "tpu.region"() ({
      %run_scoped3A_31 = tpu.sem_alloc : memref<!tpu.dma_semaphore, #tpu.memory_space<semaphore_mem>>
      %dma_start3A_32 = arith.constant 0 : i32
      %dma_start3A_33 = tpu.memref_slice %arg8[%arg0, %mul3A_30, %dma_start3A_32] : memref<2x10000x32xbf16, #tpu.memory_space<hbm>> -> memref<1x625x32xbf16, #tpu.memory_space<hbm>>
      %dma_start3A_34 = tpu.memref_squeeze %dma_start3A_33 : memref<1x625x32xbf16, #tpu.memory_space<hbm>> -> memref<625x32xbf16, #tpu.memory_space<hbm>>
      %dma_start3A_35 = arith.constant 0 : i32
      %dma_start3A_36 = tpu.memref_slice %arg14[%mul3A_28, %dma_start3A_35] : memref<10000x32xbf16, #tpu.memory_space<vmem_shared>> -> memref<625x32xbf16, #tpu.memory_space<vmem_shared>>
      tpu.enqueue_dma source(%dma_start3A_36 : memref<625x32xbf16, #tpu.memory_space<vmem_shared>>) target(%dma_start3A_34 : memref<625x32xbf16, #tpu.memory_space<hbm>>) target_semaphore(%run_scoped3A_31 : memref<!tpu.dma_semaphore, #tpu.memory_space<semaphore_mem>>)
      %dma_wait3A = arith.constant 0 : i32
      %dma_wait3A_37 = tpu.memref_slice %arg8[%arg0, %mul3A_30, %dma_wait3A] : memref<2x10000x32xbf16, #tpu.memory_space<hbm>> -> memref<1x625x32xbf16, #tpu.memory_space<hbm>>
      %dma_wait3A_38 = tpu.memref_squeeze %dma_wait3A_37 : memref<1x625x32xbf16, #tpu.memory_space<hbm>> -> memref<625x32xbf16, #tpu.memory_space<hbm>>
      %dma_wait3A_39 = arith.constant 0 : i32
      %dma_wait3A_40 = tpu.memref_slice %arg14[%mul3A_28, %dma_wait3A_39] : memref<10000x32xbf16, #tpu.memory_space<vmem_shared>> -> memref<625x32xbf16, #tpu.memory_space<vmem_shared>>
      tpu.wait_dma2 semaphore(%run_scoped3A_31 : memref<!tpu.dma_semaphore, #tpu.memory_space<semaphore_mem>>) src(%dma_wait3A_40 : memref<625x32xbf16, #tpu.memory_space<vmem_shared>>) dst(%dma_wait3A_38 : memref<625x32xbf16, #tpu.memory_space<hbm>>)
      tpu.yield
    }) : () -> ()
    return
  }
}

module attributes {stable_mosaic.version = 14 : i64} {
  func.func @_cls_body(%arg0: i32, %arg1: memref<2000x128xf32, #tpu.memory_space<vmem>>, %arg2: memref<1x2000x128xbf16, #tpu.memory_space<vmem>>, %arg3: memref<1x2000x128xbf16, #tpu.memory_space<vmem>>, %arg4: memref<1x2000x32xbf16, #tpu.memory_space<vmem>>, %arg5: memref<1x2000x32xbf16, #tpu.memory_space<vmem>>, %arg6: memref<128x128xf32, #tpu.memory_space<vmem>>, %arg7: memref<128x128xf32, #tpu.memory_space<vmem>>, %arg8: memref<1x128xf32, #tpu.memory_space<vmem>>, %arg9: memref<128x128xf32, #tpu.memory_space<vmem>>, %arg10: memref<1x128xf32, #tpu.memory_space<vmem>>, %arg11: memref<1x128xf32, #tpu.memory_space<vmem>>, %arg12: memref<1x128xf32, #tpu.memory_space<vmem>>, %arg13: memref<2000x128xf32, #tpu.memory_space<vmem>>, %arg14: memref<2000x128xbf16, #tpu.memory_space<vmem>>) attributes {dimension_semantics = [#tpu.dimension_semantics<arbitrary>], iteration_bounds = array<i64: 5>, scalar_prefetch = 0 : i64, scratch_operands = 0 : i64, tpu.core_type = #tpu.core_type<tc>, window_params = [{transform_indices = @transform_0, window_bounds = array<i64: 2000, 128>}, {transform_indices = @transform_1, window_bounds = array<i64: 1, 2000, 128>}, {transform_indices = @transform_2, window_bounds = array<i64: 1, 2000, 128>}, {transform_indices = @transform_3, window_bounds = array<i64: 1, 2000, 32>}, {transform_indices = @transform_4, window_bounds = array<i64: 1, 2000, 32>}, {pipeline_mode = #tpu.pipeline_mode<synchronous>, transform_indices = @transform_5, window_bounds = array<i64: 128, 128>}, {pipeline_mode = #tpu.pipeline_mode<synchronous>, transform_indices = @transform_6, window_bounds = array<i64: 128, 128>}, {pipeline_mode = #tpu.pipeline_mode<synchronous>, transform_indices = @transform_7, window_bounds = array<i64: 1, 128>}, {pipeline_mode = #tpu.pipeline_mode<synchronous>, transform_indices = @transform_8, window_bounds = array<i64: 128, 128>}, {pipeline_mode = #tpu.pipeline_mode<synchronous>, transform_indices = @transform_9, window_bounds = array<i64: 1, 128>}, {pipeline_mode = #tpu.pipeline_mode<synchronous>, transform_indices = @transform_10, window_bounds = array<i64: 1, 128>}, {pipeline_mode = #tpu.pipeline_mode<synchronous>, transform_indices = @transform_11, window_bounds = array<i64: 1, 128>}, {transform_indices = @transform_12, window_bounds = array<i64: 2000, 128>}, {transform_indices = @transform_13, window_bounds = array<i64: 2000, 128>}]} {
    %get3A = arith.constant 0 : index
    %get3A_0 = arith.constant 0 : index
    %get3A_1 = vector.load %arg1[%get3A, %get3A_0] : memref<2000x128xf32, #tpu.memory_space<vmem>>, vector<2000x128xf32>
    %get3A_2 = arith.constant 0 : index
    %get3A_3 = arith.constant 0 : index
    %get3A_4 = arith.constant 0 : index
    %get3A_5 = vector.load %arg2[%get3A_2, %get3A_3, %get3A_4] : memref<1x2000x128xbf16, #tpu.memory_space<vmem>>, vector<1x2000x128xbf16>
    %get3A_6 = vector.shape_cast %get3A_5 : vector<1x2000x128xbf16> to vector<2000x128xbf16>
    %get3A_7 = arith.constant 0 : index
    %get3A_8 = arith.constant 0 : index
    %get3A_9 = arith.constant 0 : index
    %get3A_10 = vector.load %arg3[%get3A_7, %get3A_8, %get3A_9] : memref<1x2000x128xbf16, #tpu.memory_space<vmem>>, vector<1x2000x128xbf16>
    %get3A_11 = vector.shape_cast %get3A_10 : vector<1x2000x128xbf16> to vector<2000x128xbf16>
    %get3A_12 = arith.constant 0 : index
    %get3A_13 = arith.constant 0 : index
    %get3A_14 = arith.constant 0 : index
    %get3A_15 = vector.load %arg4[%get3A_12, %get3A_13, %get3A_14] : memref<1x2000x32xbf16, #tpu.memory_space<vmem>>, vector<1x2000x32xbf16>
    %get3A_16 = vector.shape_cast %get3A_15 : vector<1x2000x32xbf16> to vector<2000x32xbf16>
    %get3A_17 = arith.constant 0 : index
    %get3A_18 = arith.constant 0 : index
    %get3A_19 = arith.constant 0 : index
    %get3A_20 = vector.load %arg5[%get3A_17, %get3A_18, %get3A_19] : memref<1x2000x32xbf16, #tpu.memory_space<vmem>>, vector<1x2000x32xbf16>
    %get3A_21 = vector.shape_cast %get3A_20 : vector<1x2000x32xbf16> to vector<2000x32xbf16>
    %convert_element_type3A = arith.extf %get3A_6 : vector<2000x128xbf16> to vector<2000x128xf32>
    %convert_element_type3A_22 = arith.extf %get3A_11 : vector<2000x128xbf16> to vector<2000x128xf32>
    %add3A = arith.addf %convert_element_type3A, %convert_element_type3A_22 : vector<2000x128xf32>
    %slice3A = vector.extract_strided_slice %get3A_16 {offsets = [0, 0], sizes = [2000, 1], strides = [1, 1]} : vector<2000x32xbf16> to vector<2000x1xbf16>
    %convert_element_type3A_23 = arith.extf %slice3A : vector<2000x1xbf16> to vector<2000x1xf32>
    %slice3A_24 = vector.extract_strided_slice %get3A_21 {offsets = [0, 0], sizes = [2000, 1], strides = [1, 1]} : vector<2000x32xbf16> to vector<2000x1xbf16>
    %convert_element_type3A_25 = arith.extf %slice3A_24 : vector<2000x1xbf16> to vector<2000x1xf32>
    %add3A_26 = arith.addf %convert_element_type3A_23, %convert_element_type3A_25 : vector<2000x1xf32>
    %max3A = arith.constant 1.000000e+00 : f32
    %max3A_27 = vector.broadcast %max3A : f32 to vector<2000x1xf32>
    %max3A_28 = arith.maximumf %add3A_26, %max3A_27 : vector<2000x1xf32>
    %div3A = arith.constant 1.000000e+00 : f32
    %div3A_29 = vector.broadcast %div3A : f32 to vector<2000x1xf32>
    %div3A_30 = arith.divf %div3A_29, %max3A_28 : vector<2000x1xf32>
    %mul3A = vector.broadcast %div3A_30 : vector<2000x1xf32> to vector<2000x128xf32>
    %mul3A_31 = arith.mulf %add3A, %mul3A : vector<2000x128xf32>
    %get3A_32 = arith.constant 0 : index
    %get3A_33 = arith.constant 0 : index
    %get3A_34 = vector.load %arg6[%get3A_32, %get3A_33] : memref<128x128xf32, #tpu.memory_space<vmem>>, vector<128x128xf32>
    %dot_general3A = arith.constant dense<0.000000e+00> : vector<2000x128xf32>
    %dot_general3A_35 = tpu.matmul %get3A_1, %get3A_34, %dot_general3A {dimension_numbers = #tpu.dot_dimension_numbers<[1], [0], [0], [1], [0, 0, 1, 1], [], []>, transpose_lhs_hint = false} : vector<2000x128xf32>, vector<128x128xf32>, vector<2000x128xf32> -> vector<2000x128xf32>
    %get3A_36 = arith.constant 0 : index
    %get3A_37 = arith.constant 0 : index
    %get3A_38 = vector.load %arg7[%get3A_36, %get3A_37] : memref<128x128xf32, #tpu.memory_space<vmem>>, vector<128x128xf32>
    %dot_general3A_39 = arith.constant dense<0.000000e+00> : vector<2000x128xf32>
    %dot_general3A_40 = tpu.matmul %mul3A_31, %get3A_38, %dot_general3A_39 {dimension_numbers = #tpu.dot_dimension_numbers<[1], [0], [0], [1], [0, 0, 1, 1], [], []>, transpose_lhs_hint = false} : vector<2000x128xf32>, vector<128x128xf32>, vector<2000x128xf32> -> vector<2000x128xf32>
    %add3A_41 = arith.addf %dot_general3A_35, %dot_general3A_40 : vector<2000x128xf32>
    %get3A_42 = arith.constant 0 : index
    %get3A_43 = arith.constant 0 : index
    %get3A_44 = vector.load %arg8[%get3A_42, %get3A_43] : memref<1x128xf32, #tpu.memory_space<vmem>>, vector<1x128xf32>
    %add3A_45 = vector.broadcast %get3A_44 : vector<1x128xf32> to vector<2000x128xf32>
    %add3A_46 = arith.addf %add3A_41, %add3A_45 : vector<2000x128xf32>
    %logistic3A = arith.negf %add3A_46 : vector<2000x128xf32>
    %logistic3A_47 = math.exp %logistic3A : vector<2000x128xf32>
    %logistic3A_48 = arith.constant 1.000000e+00 : f32
    %logistic3A_49 = vector.broadcast %logistic3A_48 : f32 to vector<2000x128xf32>
    %logistic3A_50 = arith.addf %logistic3A_49, %logistic3A_47 : vector<2000x128xf32>
    %logistic3A_51 = arith.divf %logistic3A_49, %logistic3A_50 : vector<2000x128xf32>
    %mul3A_52 = arith.mulf %add3A_46, %logistic3A_51 : vector<2000x128xf32>
    %get3A_53 = arith.constant 0 : index
    %get3A_54 = arith.constant 0 : index
    %get3A_55 = vector.load %arg9[%get3A_53, %get3A_54] : memref<128x128xf32, #tpu.memory_space<vmem>>, vector<128x128xf32>
    %dot_general3A_56 = arith.constant dense<0.000000e+00> : vector<2000x128xf32>
    %dot_general3A_57 = tpu.matmul %mul3A_52, %get3A_55, %dot_general3A_56 {dimension_numbers = #tpu.dot_dimension_numbers<[1], [0], [0], [1], [0, 0, 1, 1], [], []>, transpose_lhs_hint = false} : vector<2000x128xf32>, vector<128x128xf32>, vector<2000x128xf32> -> vector<2000x128xf32>
    %get3A_58 = arith.constant 0 : index
    %get3A_59 = arith.constant 0 : index
    %get3A_60 = vector.load %arg10[%get3A_58, %get3A_59] : memref<1x128xf32, #tpu.memory_space<vmem>>, vector<1x128xf32>
    %add3A_61 = vector.broadcast %get3A_60 : vector<1x128xf32> to vector<2000x128xf32>
    %add3A_62 = arith.addf %dot_general3A_57, %add3A_61 : vector<2000x128xf32>
    %add3A_63 = arith.addf %get3A_1, %add3A_62 : vector<2000x128xf32>
    %get3A_64 = arith.constant 0 : index
    %get3A_65 = arith.constant 0 : index
    %get3A_66 = vector.load %arg11[%get3A_64, %get3A_65] : memref<1x128xf32, #tpu.memory_space<vmem>>, vector<1x128xf32>
    %get3A_67 = arith.constant 0 : index
    %get3A_68 = arith.constant 0 : index
    %get3A_69 = vector.load %arg12[%get3A_67, %get3A_68] : memref<1x128xf32, #tpu.memory_space<vmem>>, vector<1x128xf32>
    %reduce_sum3A = arith.constant dense<0.000000e+00> : vector<2000xf32>
    %reduce_sum3A_70 = vector.multi_reduction <add>, %add3A_63, %reduce_sum3A [1] : vector<2000x128xf32> to vector<2000xf32>
    %broadcast_in_dim3A = vector.shape_cast %reduce_sum3A_70 : vector<2000xf32> to vector<2000x1xf32>
    %div3A_71 = arith.constant 1.280000e+02 : f32
    %div3A_72 = vector.broadcast %div3A_71 : f32 to vector<2000x1xf32>
    %div3A_73 = arith.divf %broadcast_in_dim3A, %div3A_72 : vector<2000x1xf32>
    %sub3A = vector.broadcast %div3A_73 : vector<2000x1xf32> to vector<2000x128xf32>
    %sub3A_74 = arith.subf %add3A_63, %sub3A : vector<2000x128xf32>
    %integer_pow3A = arith.mulf %sub3A_74, %sub3A_74 : vector<2000x128xf32>
    %reduce_sum3A_75 = arith.constant dense<0.000000e+00> : vector<2000xf32>
    %reduce_sum3A_76 = vector.multi_reduction <add>, %integer_pow3A, %reduce_sum3A_75 [1] : vector<2000x128xf32> to vector<2000xf32>
    %broadcast_in_dim3A_77 = vector.shape_cast %reduce_sum3A_76 : vector<2000xf32> to vector<2000x1xf32>
    %div3A_78 = arith.constant 1.280000e+02 : f32
    %div3A_79 = vector.broadcast %div3A_78 : f32 to vector<2000x1xf32>
    %div3A_80 = arith.divf %broadcast_in_dim3A_77, %div3A_79 : vector<2000x1xf32>
    %sub3A_81 = vector.broadcast %div3A_73 : vector<2000x1xf32> to vector<2000x128xf32>
    %sub3A_82 = arith.subf %add3A_63, %sub3A_81 : vector<2000x128xf32>
    %add3A_83 = arith.constant 9.99999974E-6 : f32
    %add3A_84 = vector.broadcast %add3A_83 : f32 to vector<2000x1xf32>
    %add3A_85 = arith.addf %div3A_80, %add3A_84 : vector<2000x1xf32>
    %sqrt3A = math.sqrt %add3A_85 : vector<2000x1xf32>
    %div3A_86 = vector.broadcast %sqrt3A : vector<2000x1xf32> to vector<2000x128xf32>
    %div3A_87 = arith.divf %sub3A_82, %div3A_86 : vector<2000x128xf32>
    %mul3A_88 = vector.broadcast %get3A_66 : vector<1x128xf32> to vector<2000x128xf32>
    %mul3A_89 = arith.mulf %div3A_87, %mul3A_88 : vector<2000x128xf32>
    %add3A_90 = vector.broadcast %get3A_69 : vector<1x128xf32> to vector<2000x128xf32>
    %add3A_91 = arith.addf %mul3A_89, %add3A_90 : vector<2000x128xf32>
    %swap3A = arith.constant 0 : index
    %swap3A_92 = arith.constant 0 : index
    %swap3A_93 = vector.load %arg13[%swap3A, %swap3A_92] : memref<2000x128xf32, #tpu.memory_space<vmem>>, vector<2000x128xf32>
    tpu.vector_store %arg13[%swap3A, %swap3A_92], %add3A_91 {strides = array<i32>} : memref<2000x128xf32, #tpu.memory_space<vmem>>, vector<2000x128xf32>,
    %convert_element_type3A_94 = arith.truncf %add3A_91 : vector<2000x128xf32> to vector<2000x128xbf16>
    %swap3A_95 = arith.constant 0 : index
    %swap3A_96 = arith.constant 0 : index
    %swap3A_97 = vector.load %arg14[%swap3A_95, %swap3A_96] : memref<2000x128xbf16, #tpu.memory_space<vmem>>, vector<2000x128xbf16>
    tpu.vector_store %arg14[%swap3A_95, %swap3A_96], %convert_element_type3A_94 {strides = array<i32>} : memref<2000x128xbf16, #tpu.memory_space<vmem>>, vector<2000x128xbf16>,
    return
  }
  func.func @transform_0(%arg0: i32) -> (i32, i32) {
    %c0_i32 = arith.constant 0 : i32
    %c0_i32_0 = arith.constant 0 : i32
    return %arg0, %c0_i32 : i32, i32
  }
  func.func @transform_1(%arg0: i32) -> (i32, i32, i32) {
    %c0_i32 = arith.constant 0 : i32
    %c0_i32_0 = arith.constant 0 : i32
    %c0_i32_1 = arith.constant 0 : i32
    return %c0_i32, %arg0, %c0_i32_0 : i32, i32, i32
  }
  func.func @transform_2(%arg0: i32) -> (i32, i32, i32) {
    %c1_i32 = arith.constant 1 : i32
    %c0_i32 = arith.constant 0 : i32
    %c0_i32_0 = arith.constant 0 : i32
    return %c1_i32, %arg0, %c0_i32 : i32, i32, i32
  }
  func.func @transform_3(%arg0: i32) -> (i32, i32, i32) {
    %c0_i32 = arith.constant 0 : i32
    %c0_i32_0 = arith.constant 0 : i32
    %c0_i32_1 = arith.constant 0 : i32
    return %c0_i32, %arg0, %c0_i32_0 : i32, i32, i32
  }
  func.func @transform_4(%arg0: i32) -> (i32, i32, i32) {
    %c1_i32 = arith.constant 1 : i32
    %c0_i32 = arith.constant 0 : i32
    %c0_i32_0 = arith.constant 0 : i32
    return %c1_i32, %arg0, %c0_i32 : i32, i32, i32
  }
  func.func @transform_5(%arg0: i32) -> (i32, i32) {
    %c0_i32 = arith.constant 0 : i32
    %c0_i32_0 = arith.constant 0 : i32
    %c0_i32_1 = arith.constant 0 : i32
    return %c0_i32, %c0_i32_0 : i32, i32
  }
  func.func @transform_6(%arg0: i32) -> (i32, i32) {
    %c0_i32 = arith.constant 0 : i32
    %c0_i32_0 = arith.constant 0 : i32
    %c0_i32_1 = arith.constant 0 : i32
    return %c0_i32, %c0_i32_0 : i32, i32
  }
  func.func @transform_7(%arg0: i32) -> (i32, i32) {
    %c0_i32 = arith.constant 0 : i32
    %c0_i32_0 = arith.constant 0 : i32
    %c0_i32_1 = arith.constant 0 : i32
    return %c0_i32, %c0_i32_0 : i32, i32
  }
  func.func @transform_8(%arg0: i32) -> (i32, i32) {
    %c0_i32 = arith.constant 0 : i32
    %c0_i32_0 = arith.constant 0 : i32
    %c0_i32_1 = arith.constant 0 : i32
    return %c0_i32, %c0_i32_0 : i32, i32
  }
  func.func @transform_9(%arg0: i32) -> (i32, i32) {
    %c0_i32 = arith.constant 0 : i32
    %c0_i32_0 = arith.constant 0 : i32
    %c0_i32_1 = arith.constant 0 : i32
    return %c0_i32, %c0_i32_0 : i32, i32
  }
  func.func @transform_10(%arg0: i32) -> (i32, i32) {
    %c0_i32 = arith.constant 0 : i32
    %c0_i32_0 = arith.constant 0 : i32
    %c0_i32_1 = arith.constant 0 : i32
    return %c0_i32, %c0_i32_0 : i32, i32
  }
  func.func @transform_11(%arg0: i32) -> (i32, i32) {
    %c0_i32 = arith.constant 0 : i32
    %c0_i32_0 = arith.constant 0 : i32
    %c0_i32_1 = arith.constant 0 : i32
    return %c0_i32, %c0_i32_0 : i32, i32
  }
  func.func @transform_12(%arg0: i32) -> (i32, i32) {
    %c0_i32 = arith.constant 0 : i32
    %c0_i32_0 = arith.constant 0 : i32
    return %arg0, %c0_i32 : i32, i32
  }
  func.func @transform_13(%arg0: i32) -> (i32, i32) {
    %c0_i32 = arith.constant 0 : i32
    %c0_i32_0 = arith.constant 0 : i32
    return %arg0, %c0_i32 : i32, i32
  }
}

module attributes {stable_mosaic.version = 14 : i64} {
  func.func @_lit_body(%arg0: i32, %arg1: memref<2000x128xf32, #tpu.memory_space<vmem>>, %arg2: memref<1x2000x128xbf16, #tpu.memory_space<vmem>>, %arg3: memref<1x2000x128xbf16, #tpu.memory_space<vmem>>, %arg4: memref<1x2000x32xbf16, #tpu.memory_space<vmem>>, %arg5: memref<1x2000x32xbf16, #tpu.memory_space<vmem>>, %arg6: memref<128x128xf32, #tpu.memory_space<vmem>>, %arg7: memref<128x128xf32, #tpu.memory_space<vmem>>, %arg8: memref<128x128xf32, #tpu.memory_space<vmem>>, %arg9: memref<1x128xf32, #tpu.memory_space<vmem>>, %arg10: memref<128x128xf32, #tpu.memory_space<vmem>>, %arg11: memref<1x128xf32, #tpu.memory_space<vmem>>, %arg12: memref<1x128xf32, #tpu.memory_space<vmem>>, %arg13: memref<1x128xf32, #tpu.memory_space<vmem>>, %arg14: memref<2000x128xf32, #tpu.memory_space<vmem>>) attributes {dimension_semantics = [#tpu.dimension_semantics<arbitrary>], iteration_bounds = array<i64: 5>, scalar_prefetch = 0 : i64, scratch_operands = 0 : i64, tpu.core_type = #tpu.core_type<tc>, window_params = [{transform_indices = @transform_0, window_bounds = array<i64: 2000, 128>}, {transform_indices = @transform_1, window_bounds = array<i64: 1, 2000, 128>}, {transform_indices = @transform_2, window_bounds = array<i64: 1, 2000, 128>}, {transform_indices = @transform_3, window_bounds = array<i64: 1, 2000, 32>}, {transform_indices = @transform_4, window_bounds = array<i64: 1, 2000, 32>}, {pipeline_mode = #tpu.pipeline_mode<synchronous>, transform_indices = @transform_5, window_bounds = array<i64: 128, 128>}, {pipeline_mode = #tpu.pipeline_mode<synchronous>, transform_indices = @transform_6, window_bounds = array<i64: 128, 128>}, {pipeline_mode = #tpu.pipeline_mode<synchronous>, transform_indices = @transform_7, window_bounds = array<i64: 128, 128>}, {pipeline_mode = #tpu.pipeline_mode<synchronous>, transform_indices = @transform_8, window_bounds = array<i64: 1, 128>}, {pipeline_mode = #tpu.pipeline_mode<synchronous>, transform_indices = @transform_9, window_bounds = array<i64: 128, 128>}, {pipeline_mode = #tpu.pipeline_mode<synchronous>, transform_indices = @transform_10, window_bounds = array<i64: 1, 128>}, {pipeline_mode = #tpu.pipeline_mode<synchronous>, transform_indices = @transform_11, window_bounds = array<i64: 1, 128>}, {pipeline_mode = #tpu.pipeline_mode<synchronous>, transform_indices = @transform_12, window_bounds = array<i64: 1, 128>}, {transform_indices = @transform_13, window_bounds = array<i64: 2000, 128>}]} {
    %get3A = arith.constant 0 : index
    %get3A_0 = arith.constant 0 : index
    %get3A_1 = vector.load %arg1[%get3A, %get3A_0] : memref<2000x128xf32, #tpu.memory_space<vmem>>, vector<2000x128xf32>
    %get3A_2 = arith.constant 0 : index
    %get3A_3 = arith.constant 0 : index
    %get3A_4 = arith.constant 0 : index
    %get3A_5 = vector.load %arg2[%get3A_2, %get3A_3, %get3A_4] : memref<1x2000x128xbf16, #tpu.memory_space<vmem>>, vector<1x2000x128xbf16>
    %get3A_6 = vector.shape_cast %get3A_5 : vector<1x2000x128xbf16> to vector<2000x128xbf16>
    %get3A_7 = arith.constant 0 : index
    %get3A_8 = arith.constant 0 : index
    %get3A_9 = arith.constant 0 : index
    %get3A_10 = vector.load %arg3[%get3A_7, %get3A_8, %get3A_9] : memref<1x2000x128xbf16, #tpu.memory_space<vmem>>, vector<1x2000x128xbf16>
    %get3A_11 = vector.shape_cast %get3A_10 : vector<1x2000x128xbf16> to vector<2000x128xbf16>
    %get3A_12 = arith.constant 0 : index
    %get3A_13 = arith.constant 0 : index
    %get3A_14 = arith.constant 0 : index
    %get3A_15 = vector.load %arg4[%get3A_12, %get3A_13, %get3A_14] : memref<1x2000x32xbf16, #tpu.memory_space<vmem>>, vector<1x2000x32xbf16>
    %get3A_16 = vector.shape_cast %get3A_15 : vector<1x2000x32xbf16> to vector<2000x32xbf16>
    %get3A_17 = arith.constant 0 : index
    %get3A_18 = arith.constant 0 : index
    %get3A_19 = arith.constant 0 : index
    %get3A_20 = vector.load %arg5[%get3A_17, %get3A_18, %get3A_19] : memref<1x2000x32xbf16, #tpu.memory_space<vmem>>, vector<1x2000x32xbf16>
    %get3A_21 = vector.shape_cast %get3A_20 : vector<1x2000x32xbf16> to vector<2000x32xbf16>
    %convert_element_type3A = arith.extf %get3A_6 : vector<2000x128xbf16> to vector<2000x128xf32>
    %convert_element_type3A_22 = arith.extf %get3A_11 : vector<2000x128xbf16> to vector<2000x128xf32>
    %add3A = arith.addf %convert_element_type3A, %convert_element_type3A_22 : vector<2000x128xf32>
    %slice3A = vector.extract_strided_slice %get3A_16 {offsets = [0, 0], sizes = [2000, 1], strides = [1, 1]} : vector<2000x32xbf16> to vector<2000x1xbf16>
    %convert_element_type3A_23 = arith.extf %slice3A : vector<2000x1xbf16> to vector<2000x1xf32>
    %slice3A_24 = vector.extract_strided_slice %get3A_21 {offsets = [0, 0], sizes = [2000, 1], strides = [1, 1]} : vector<2000x32xbf16> to vector<2000x1xbf16>
    %convert_element_type3A_25 = arith.extf %slice3A_24 : vector<2000x1xbf16> to vector<2000x1xf32>
    %add3A_26 = arith.addf %convert_element_type3A_23, %convert_element_type3A_25 : vector<2000x1xf32>
    %max3A = arith.constant 1.000000e+00 : f32
    %max3A_27 = vector.broadcast %max3A : f32 to vector<2000x1xf32>
    %max3A_28 = arith.maximumf %add3A_26, %max3A_27 : vector<2000x1xf32>
    %div3A = arith.constant 1.000000e+00 : f32
    %div3A_29 = vector.broadcast %div3A : f32 to vector<2000x1xf32>
    %div3A_30 = arith.divf %div3A_29, %max3A_28 : vector<2000x1xf32>
    %mul3A = vector.broadcast %div3A_30 : vector<2000x1xf32> to vector<2000x128xf32>
    %mul3A_31 = arith.mulf %add3A, %mul3A : vector<2000x128xf32>
    %roll3A = arith.constant 1999 : i32
    %roll3A_32 = tpu.dynamic_rotate %get3A_1 by %roll3A dim 0 : vector<2000x128xf32>, i32 -> vector<2000x128xf32>
    %roll3A_33 = arith.constant 1 : i32
    %roll3A_34 = tpu.dynamic_rotate %get3A_1 by %roll3A_33 dim 0 : vector<2000x128xf32>, i32 -> vector<2000x128xf32>
    %iota3A = tpu.iota {dimensions = array<i32: 0>} : vector<2000x128xi32>
    %jit3A = arith.constant 2 : i32
    %eq3A = arith.constant 0 : i32
    %eq3A_35 = arith.cmpi eq, %jit3A, %eq3A : i32
    %jit3A_36 = arith.constant 1 : i32
    %select_n3A = arith.select %eq3A_35, %jit3A_36, %jit3A : i32
    %rem3A = vector.broadcast %select_n3A : i32 to vector<2000x128xi32>
    %rem3A_37 = arith.remsi %iota3A, %rem3A : vector<2000x128xi32>
    %ne3A = arith.constant 0 : i32
    %ne3A_38 = vector.broadcast %ne3A : i32 to vector<2000x128xi32>
    %ne3A_39 = arith.cmpi ne, %rem3A_37, %ne3A_38 : vector<2000x128xi32>
    %lt3A = arith.constant 0 : i32
    %lt3A_40 = vector.broadcast %lt3A : i32 to vector<2000x128xi32>
    %lt3A_41 = arith.cmpi slt, %rem3A_37, %lt3A_40 : vector<2000x128xi32>
    %lt3A_42 = arith.constant 0 : i32
    %lt3A_43 = arith.cmpi slt, %select_n3A, %lt3A_42 : i32
    %ne3A_44 = vector.broadcast %lt3A_43 : i1 to vector<2000x128xi1>
    %ne3A_45 = vector.broadcast %ne3A_44 : vector<2000x128xi1> to vector<2000x128xi1>
    %ne3A_46 = arith.xori %lt3A_41, %ne3A_45 : vector<2000x128xi1>
    %and3A = arith.andi %ne3A_46, %ne3A_39 : vector<2000x128xi1>
    %add3A_47 = vector.broadcast %select_n3A : i32 to vector<2000x128xi32>
    %add3A_48 = arith.addi %rem3A_37, %add3A_47 : vector<2000x128xi32>
    %select_n3A_49 = arith.select %and3A, %add3A_48, %rem3A_37 : vector<2000x128xi1>, vector<2000x128xi32>
    %eq3A_50 = arith.constant 0 : i32
    %eq3A_51 = vector.broadcast %eq3A_50 : i32 to vector<2000x128xi32>
    %eq3A_52 = arith.cmpi eq, %select_n3A_49, %eq3A_51 : vector<2000x128xi32>
    %select_n3A_53 = arith.select %eq3A_52, %roll3A_32, %roll3A_34 : vector<2000x128xi1>, vector<2000x128xf32>
    %get3A_54 = arith.constant 0 : index
    %get3A_55 = arith.constant 0 : index
    %get3A_56 = vector.load %arg6[%get3A_54, %get3A_55] : memref<128x128xf32, #tpu.memory_space<vmem>>, vector<128x128xf32>
    %dot_general3A = arith.constant dense<0.000000e+00> : vector<2000x128xf32>
    %dot_general3A_57 = tpu.matmul %get3A_1, %get3A_56, %dot_general3A {dimension_numbers = #tpu.dot_dimension_numbers<[1], [0], [0], [1], [0, 0, 1, 1], [], []>, transpose_lhs_hint = false} : vector<2000x128xf32>, vector<128x128xf32>, vector<2000x128xf32> -> vector<2000x128xf32>
    %get3A_58 = arith.constant 0 : index
    %get3A_59 = arith.constant 0 : index
    %get3A_60 = vector.load %arg7[%get3A_58, %get3A_59] : memref<128x128xf32, #tpu.memory_space<vmem>>, vector<128x128xf32>
    %dot_general3A_61 = arith.constant dense<0.000000e+00> : vector<2000x128xf32>
    %dot_general3A_62 = tpu.matmul %select_n3A_53, %get3A_60, %dot_general3A_61 {dimension_numbers = #tpu.dot_dimension_numbers<[1], [0], [0], [1], [0, 0, 1, 1], [], []>, transpose_lhs_hint = false} : vector<2000x128xf32>, vector<128x128xf32>, vector<2000x128xf32> -> vector<2000x128xf32>
    %add3A_63 = arith.addf %dot_general3A_57, %dot_general3A_62 : vector<2000x128xf32>
    %get3A_64 = arith.constant 0 : index
    %get3A_65 = arith.constant 0 : index
    %get3A_66 = vector.load %arg8[%get3A_64, %get3A_65] : memref<128x128xf32, #tpu.memory_space<vmem>>, vector<128x128xf32>
    %dot_general3A_67 = arith.constant dense<0.000000e+00> : vector<2000x128xf32>
    %dot_general3A_68 = tpu.matmul %mul3A_31, %get3A_66, %dot_general3A_67 {dimension_numbers = #tpu.dot_dimension_numbers<[1], [0], [0], [1], [0, 0, 1, 1], [], []>, transpose_lhs_hint = false} : vector<2000x128xf32>, vector<128x128xf32>, vector<2000x128xf32> -> vector<2000x128xf32>
    %add3A_69 = arith.addf %add3A_63, %dot_general3A_68 : vector<2000x128xf32>
    %get3A_70 = arith.constant 0 : index
    %get3A_71 = arith.constant 0 : index
    %get3A_72 = vector.load %arg9[%get3A_70, %get3A_71] : memref<1x128xf32, #tpu.memory_space<vmem>>, vector<1x128xf32>
    %add3A_73 = vector.broadcast %get3A_72 : vector<1x128xf32> to vector<2000x128xf32>
    %add3A_74 = arith.addf %add3A_69, %add3A_73 : vector<2000x128xf32>
    %logistic3A = arith.negf %add3A_74 : vector<2000x128xf32>
    %logistic3A_75 = math.exp %logistic3A : vector<2000x128xf32>
    %logistic3A_76 = arith.constant 1.000000e+00 : f32
    %logistic3A_77 = vector.broadcast %logistic3A_76 : f32 to vector<2000x128xf32>
    %logistic3A_78 = arith.addf %logistic3A_77, %logistic3A_75 : vector<2000x128xf32>
    %logistic3A_79 = arith.divf %logistic3A_77, %logistic3A_78 : vector<2000x128xf32>
    %mul3A_80 = arith.mulf %add3A_74, %logistic3A_79 : vector<2000x128xf32>
    %get3A_81 = arith.constant 0 : index
    %get3A_82 = arith.constant 0 : index
    %get3A_83 = vector.load %arg10[%get3A_81, %get3A_82] : memref<128x128xf32, #tpu.memory_space<vmem>>, vector<128x128xf32>
    %dot_general3A_84 = arith.constant dense<0.000000e+00> : vector<2000x128xf32>
    %dot_general3A_85 = tpu.matmul %mul3A_80, %get3A_83, %dot_general3A_84 {dimension_numbers = #tpu.dot_dimension_numbers<[1], [0], [0], [1], [0, 0, 1, 1], [], []>, transpose_lhs_hint = false} : vector<2000x128xf32>, vector<128x128xf32>, vector<2000x128xf32> -> vector<2000x128xf32>
    %get3A_86 = arith.constant 0 : index
    %get3A_87 = arith.constant 0 : index
    %get3A_88 = vector.load %arg11[%get3A_86, %get3A_87] : memref<1x128xf32, #tpu.memory_space<vmem>>, vector<1x128xf32>
    %add3A_89 = vector.broadcast %get3A_88 : vector<1x128xf32> to vector<2000x128xf32>
    %add3A_90 = arith.addf %dot_general3A_85, %add3A_89 : vector<2000x128xf32>
    %add3A_91 = arith.addf %get3A_1, %add3A_90 : vector<2000x128xf32>
    %get3A_92 = arith.constant 0 : index
    %get3A_93 = arith.constant 0 : index
    %get3A_94 = vector.load %arg12[%get3A_92, %get3A_93] : memref<1x128xf32, #tpu.memory_space<vmem>>, vector<1x128xf32>
    %get3A_95 = arith.constant 0 : index
    %get3A_96 = arith.constant 0 : index
    %get3A_97 = vector.load %arg13[%get3A_95, %get3A_96] : memref<1x128xf32, #tpu.memory_space<vmem>>, vector<1x128xf32>
    %reduce_sum3A = arith.constant dense<0.000000e+00> : vector<2000xf32>
    %reduce_sum3A_98 = vector.multi_reduction <add>, %add3A_91, %reduce_sum3A [1] : vector<2000x128xf32> to vector<2000xf32>
    %broadcast_in_dim3A = vector.shape_cast %reduce_sum3A_98 : vector<2000xf32> to vector<2000x1xf32>
    %div3A_99 = arith.constant 1.280000e+02 : f32
    %div3A_100 = vector.broadcast %div3A_99 : f32 to vector<2000x1xf32>
    %div3A_101 = arith.divf %broadcast_in_dim3A, %div3A_100 : vector<2000x1xf32>
    %sub3A = vector.broadcast %div3A_101 : vector<2000x1xf32> to vector<2000x128xf32>
    %sub3A_102 = arith.subf %add3A_91, %sub3A : vector<2000x128xf32>
    %integer_pow3A = arith.mulf %sub3A_102, %sub3A_102 : vector<2000x128xf32>
    %reduce_sum3A_103 = arith.constant dense<0.000000e+00> : vector<2000xf32>
    %reduce_sum3A_104 = vector.multi_reduction <add>, %integer_pow3A, %reduce_sum3A_103 [1] : vector<2000x128xf32> to vector<2000xf32>
    %broadcast_in_dim3A_105 = vector.shape_cast %reduce_sum3A_104 : vector<2000xf32> to vector<2000x1xf32>
    %div3A_106 = arith.constant 1.280000e+02 : f32
    %div3A_107 = vector.broadcast %div3A_106 : f32 to vector<2000x1xf32>
    %div3A_108 = arith.divf %broadcast_in_dim3A_105, %div3A_107 : vector<2000x1xf32>
    %sub3A_109 = vector.broadcast %div3A_101 : vector<2000x1xf32> to vector<2000x128xf32>
    %sub3A_110 = arith.subf %add3A_91, %sub3A_109 : vector<2000x128xf32>
    %add3A_111 = arith.constant 9.99999974E-6 : f32
    %add3A_112 = vector.broadcast %add3A_111 : f32 to vector<2000x1xf32>
    %add3A_113 = arith.addf %div3A_108, %add3A_112 : vector<2000x1xf32>
    %sqrt3A = math.sqrt %add3A_113 : vector<2000x1xf32>
    %div3A_114 = vector.broadcast %sqrt3A : vector<2000x1xf32> to vector<2000x128xf32>
    %div3A_115 = arith.divf %sub3A_110, %div3A_114 : vector<2000x128xf32>
    %mul3A_116 = vector.broadcast %get3A_94 : vector<1x128xf32> to vector<2000x128xf32>
    %mul3A_117 = arith.mulf %div3A_115, %mul3A_116 : vector<2000x128xf32>
    %add3A_118 = vector.broadcast %get3A_97 : vector<1x128xf32> to vector<2000x128xf32>
    %add3A_119 = arith.addf %mul3A_117, %add3A_118 : vector<2000x128xf32>
    %swap3A = arith.constant 0 : index
    %swap3A_120 = arith.constant 0 : index
    %swap3A_121 = vector.load %arg14[%swap3A, %swap3A_120] : memref<2000x128xf32, #tpu.memory_space<vmem>>, vector<2000x128xf32>
    tpu.vector_store %arg14[%swap3A, %swap3A_120], %add3A_119 {strides = array<i32>} : memref<2000x128xf32, #tpu.memory_space<vmem>>, vector<2000x128xf32>,
    return
  }
  func.func @transform_0(%arg0: i32) -> (i32, i32) {
    %c0_i32 = arith.constant 0 : i32
    %c0_i32_0 = arith.constant 0 : i32
    return %arg0, %c0_i32 : i32, i32
  }
  func.func @transform_1(%arg0: i32) -> (i32, i32, i32) {
    %c0_i32 = arith.constant 0 : i32
    %c0_i32_0 = arith.constant 0 : i32
    %c0_i32_1 = arith.constant 0 : i32
    return %c0_i32, %arg0, %c0_i32_0 : i32, i32, i32
  }
  func.func @transform_2(%arg0: i32) -> (i32, i32, i32) {
    %c1_i32 = arith.constant 1 : i32
    %c0_i32 = arith.constant 0 : i32
    %c0_i32_0 = arith.constant 0 : i32
    return %c1_i32, %arg0, %c0_i32 : i32, i32, i32
  }
  func.func @transform_3(%arg0: i32) -> (i32, i32, i32) {
    %c0_i32 = arith.constant 0 : i32
    %c0_i32_0 = arith.constant 0 : i32
    %c0_i32_1 = arith.constant 0 : i32
    return %c0_i32, %arg0, %c0_i32_0 : i32, i32, i32
  }
  func.func @transform_4(%arg0: i32) -> (i32, i32, i32) {
    %c1_i32 = arith.constant 1 : i32
    %c0_i32 = arith.constant 0 : i32
    %c0_i32_0 = arith.constant 0 : i32
    return %c1_i32, %arg0, %c0_i32 : i32, i32, i32
  }
  func.func @transform_5(%arg0: i32) -> (i32, i32) {
    %c0_i32 = arith.constant 0 : i32
    %c0_i32_0 = arith.constant 0 : i32
    %c0_i32_1 = arith.constant 0 : i32
    return %c0_i32, %c0_i32_0 : i32, i32
  }
  func.func @transform_6(%arg0: i32) -> (i32, i32) {
    %c0_i32 = arith.constant 0 : i32
    %c0_i32_0 = arith.constant 0 : i32
    %c0_i32_1 = arith.constant 0 : i32
    return %c0_i32, %c0_i32_0 : i32, i32
  }
  func.func @transform_7(%arg0: i32) -> (i32, i32) {
    %c0_i32 = arith.constant 0 : i32
    %c0_i32_0 = arith.constant 0 : i32
    %c0_i32_1 = arith.constant 0 : i32
    return %c0_i32, %c0_i32_0 : i32, i32
  }
  func.func @transform_8(%arg0: i32) -> (i32, i32) {
    %c0_i32 = arith.constant 0 : i32
    %c0_i32_0 = arith.constant 0 : i32
    %c0_i32_1 = arith.constant 0 : i32
    return %c0_i32, %c0_i32_0 : i32, i32
  }
  func.func @transform_9(%arg0: i32) -> (i32, i32) {
    %c0_i32 = arith.constant 0 : i32
    %c0_i32_0 = arith.constant 0 : i32
    %c0_i32_1 = arith.constant 0 : i32
    return %c0_i32, %c0_i32_0 : i32, i32
  }
  func.func @transform_10(%arg0: i32) -> (i32, i32) {
    %c0_i32 = arith.constant 0 : i32
    %c0_i32_0 = arith.constant 0 : i32
    %c0_i32_1 = arith.constant 0 : i32
    return %c0_i32, %c0_i32_0 : i32, i32
  }
  func.func @transform_11(%arg0: i32) -> (i32, i32) {
    %c0_i32 = arith.constant 0 : i32
    %c0_i32_0 = arith.constant 0 : i32
    %c0_i32_1 = arith.constant 0 : i32
    return %c0_i32, %c0_i32_0 : i32, i32
  }
  func.func @transform_12(%arg0: i32) -> (i32, i32) {
    %c0_i32 = arith.constant 0 : i32
    %c0_i32_0 = arith.constant 0 : i32
    %c0_i32_1 = arith.constant 0 : i32
    return %c0_i32, %c0_i32_0 : i32, i32
  }
  func.func @transform_13(%arg0: i32) -> (i32, i32) {
    %c0_i32 = arith.constant 0 : i32
    %c0_i32_0 = arith.constant 0 : i32
    return %arg0, %c0_i32 : i32, i32
  }
}

</mosaic_0001>

<sc_bundles>
// kernel: kernel.6.cloned.1.call-start
scs
__scs_entry_jumppad:
0x0: {  	(pc) =	sbr.rel $0x88, $3  }
0x1: {  	(tag) =	ssettag $0x0;
	lr =	simm.s32 $0x1  }
0x2: {  	[smem:$0x3F92] =	sst lr;
	_ =	strace $0xD0000000  }
0x3: {  	_ = 	snop  }
0x4: {  	_ = 	snop  }
0x5: {  	_ = 	snop  }
0x6: {  	_ = 	snop  }
0x7: {  	_ = 	snop  }
__scs_overlays_trampoline_lowered:
0x8: {  	[smem:$0x3FA1] =	sst s0  }
0x9: {  	[smem:$0x3FA2] =	sst s1  }
0xa: {  	[smem:$0x3FA3] =	sst s2  }
0xb: {  	[smem:$0x3FA4] =	sst s3  }
0xc: {  	[smem:$0x3FA5] =	sst s4  }
0xd: {  	[smem:$0x3FA6] =	sst s5  }
0xe: {  	[smem:$0x3FA7] =	sst s6  }
0xf: {  	[smem:$0x3FA8] =	sst s7  }
0x10: {  	[smem:$0x3FA9] =	sst s8  }
0x11: {  	[smem:$0x3FAA] =	sst s9;
	s0 =	simm.s32 @!p0 $0x0  }
0x12: {  	s1 =	sld [smem:$0x3F90];
	s0 =	simm.s32 @p0 $0x1  }
0x13: {  	[smem:$0x3FAB] =	sst s0;
	s0 =	simm.s32 @!p1 $0x0  }
0x14: {  	s2 =	sld [smem:$0x3F8F];
	s0 =	simm.s32 @p1 $0x1  }
0x15: {  	[smem:$0x3FAC] =	sst s0;
	s0 =	simm.s32 @!p2 $0x0  }
0x16: {  	s3 =	sld [smem:$0x3FDB];
	s0 =	simm.s32 @p2 $0x1  }
0x17: {  	s4 =	simm.s32 $0x1BF5;
	[smem:$0x3FAE] =	sst s0  }
0x18: {  	s0 =	sld [smem:$0x3F91];
	_ =	swait.ge [sflag:s4], $0x0  }
0x19: {  	s7 =	sld [smem:$0x3F92]  }
0x1a: {  	s8 =	sadd.s32 $0xFFFFE003, lr  }
0x1b: {  	s9 =	sadd.s32 $0xFFFFFEF7, lr;
	s5 =	simm.s32 $0xFFFFFFFF;
	p2 =	slt.u32 s8, $0xFFFFF086  }
0x1c: {  	p1 =	slt.u32 s9, $0xF7A;
	s5 =	simm.s32 @!p2 $0x0  }
0x1d: {  	s5 =	simm.s32 @p1 $0x1;
	p0 =	seq.s32 s7, s2  }
0x1e: {  	s7 =	smul.u32 @!p0 $0xF7A, s2;
	p2 =	seq.s32 @!p0 s5, $0x0  }
0x1f: {  	s9 =	smul.u32 $0xF7A, s1;
	s8 =	simm.s32 @!p0 $0x1BF5;
	p2 =	por !p2, p0  }
0x20: {  	[sflag:s8] =	ssyncset.s32 @!p0 $0xFFFFF086;
	s6 =	sadd.s32 @!p0 s3, s7;
	s7 =	simm.s32 @!p0 $0x108  }
0x21: {  	s3 =	sadd.s32 s3, s9;
	s6 =	sadd.s32 @!p0 $0x88, s6;
	s7 =	simm.s32 @p2 $0x1082  }
0x22: {  	[simem:s7], [sflag:s8] =	dma.local @!p0 [hbm:s6], $0xF7A  }
0x23: {  	s9 =	sor.u32 $0xD0000000, s2;
	s6 =	simm.s32 $0x108;
	_ =	swait.ge @!p0 [sflag:s8], $0x0  }
0x24: {  	s3 =	sadd.s32 $0x88, s3;
	s6 =	simm.s32 @!p1 $0x1082;
	[sflag:s4] =	ssyncset.s32 $0xFFFFF086  }
0x25: {  	[simem:s6], [sflag:s4] =	dma.local [hbm:s3], $0xF7A  }
0x26: {  	[smem:$0x3F92] =	sst s1;
	(tag) =	ssettag s2;
	_ =	strace s9  }
0x27: {  	s1 =	sld [smem:$0x3FA2]  }
0x28: {  	s2 =	sld [smem:$0x3FA3]  }
0x29: {  	s4 =	sld [smem:$0x3FA5]  }
0x2a: {  	p0 =	seq.s32 s5, $0x0;
	s5 =	sld [smem:$0x3FA6]  }
0x2b: {  	s6 =	sld [smem:$0x3FA7]  }
0x2c: {  	s7 =	sld [smem:$0x3FA8]  }
0x2d: {  	s3 =	simm.s32 $0x108;
	s8 =	sld [smem:$0x3FA9]  }
0x2e: {  	s3 =	simm.s32 @!p0 $0x1082;
	s9 =	sld [smem:$0x3FAA]  }
0x2f: {  	lr =	sadd.s32 s0, s3;
	s0 =	sld [smem:$0x3FA1]  }
0x30: {  	s3 =	sld [smem:$0x3FA4]  }
0x31: {  	[smem:$0x3FAD] =	sst s10  }
0x32: {  	s10 =	sld [smem:$0x3FAB];
	_ =	sdelay $0x3  }
0x33: {  	p0 =	seq.s32 s10, $0x1;
	s10 =	sld [smem:$0x3FAD];
	_ =	sdelay $0x3  }
0x34: {  	[smem:$0x3FAD] =	sst s10  }
0x35: {  	s10 =	sld [smem:$0x3FAC];
	_ =	sdelay $0x3  }
0x36: {  	p1 =	seq.s32 s10, $0x1;
	s10 =	sld [smem:$0x3FAD];
	_ =	sdelay $0x3  }
0x37: {  	[smem:$0x3FAD] =	sst s10  }
0x38: {  	s10 =	sld [smem:$0x3FAE]  }
0x39: {  	_ = 	snop;
	(pc) =	sbr.ind lr, $3  }
0x3a: {  	_ = 	snop  }
0x3b: {  	_ = 	snop  }
0x3c: {  	p2 =	seq.s32 s10, $0x1;
	s10 =	sld [smem:$0x3FAD]  }
0x3d: {  	_ =	shalt  }
0x3e: {  	_ =	shalt  }
0x3f: {  	_ =	shalt  }
0x40: {  	_ =	shalt  }
0x41: {  	_ =	shalt  }
0x42: {  	_ =	shalt  }
0x43: {  	_ =	shalt  }
0x44: {  	_ =	shalt  }
0x45: {  	_ =	shalt  }
0x46: {  	_ =	shalt  }
0x47: {  	_ =	shalt  }
0x48: {  	_ =	shalt  }
0x49: {  	_ =	shalt  }
0x4a: {  	_ =	shalt  }
0x4b: {  	_ =	shalt  }
0x4c: {  	_ =	shalt  }
0x4d: {  	_ =	shalt  }
0x4e: {  	_ =	shalt  }
0x4f: {  	_ =	shalt  }
0x50: {  	_ =	shalt  }
0x51: {  	_ =	shalt  }
0x52: {  	_ =	shalt  }
0x53: {  	_ =	shalt  }
0x54: {  	_ =	shalt  }
0x55: {  	_ =	shalt  }
0x56: {  	_ =	shalt  }
0x57: {  	_ =	shalt  }
0x58: {  	_ =	shalt  }
0x59: {  	_ =	shalt  }
0x5a: {  	_ =	shalt  }
0x5b: {  	_ =	shalt  }
0x5c: {  	_ =	shalt  }
0x5d: {  	_ =	shalt  }
0x5e: {  	_ =	shalt  }
0x5f: {  	_ =	shalt  }
0x60: {  	_ =	shalt  }
0x61: {  	_ =	shalt  }
0x62: {  	_ =	shalt  }
0x63: {  	_ =	shalt  }
0x64: {  	_ =	shalt  }
0x65: {  	_ =	shalt  }
0x66: {  	_ =	shalt  }
0x67: {  	_ =	shalt  }
0x68: {  	_ =	shalt  }
0x69: {  	_ =	shalt  }
0x6a: {  	_ =	shalt  }
0x6b: {  	_ =	shalt  }
0x6c: {  	_ =	shalt  }
0x6d: {  	_ =	shalt  }
0x6e: {  	_ =	shalt  }
0x6f: {  	_ =	shalt  }
0x70: {  	_ =	shalt  }
0x71: {  	_ =	shalt  }
0x72: {  	_ =	shalt  }
0x73: {  	_ =	shalt  }
0x74: {  	_ =	shalt  }
0x75: {  	_ =	shalt  }
0x76: {  	_ =	shalt  }
0x77: {  	_ =	shalt  }
0x78: {  	_ =	shalt  }
0x79: {  	_ =	shalt  }
0x7a: {  	_ =	shalt  }
0x7b: {  	_ =	shalt  }
0x7c: {  	_ =	shalt  }
0x7d: {  	_ =	shalt  }
0x7e: {  	_ =	shalt  }
0x7f: {  	_ =	shalt  }
0x80: {  	_ =	shalt  }
0x81: {  	_ =	shalt  }
0x82: {  	_ =	shalt  }
0x83: {  	_ =	shalt  }
0x84: {  	_ =	shalt  }
0x85: {  	_ =	shalt  }
0x86: {  	_ =	shalt  }
0x87: {  	_ =	shalt  }
.Lfunc_end0:
.L_simem_size_0:
called_computation_lowered:
.L_overlay_start_0:
0x88: {  	s2 =	sld [smem:$0x3FD9]  }
0x89: {  	s3 =	sld [smem:$0x3FFE];
	_ =	sdelay $0x1  }
0x8a: {  	s1 =	srdreg.scid  }
0x8b: {  	s0 =	sand.u32 $0x1, s1  }
0x8c: {  	s14 =	sshll.u32 s0, $0xA;
	s2 =	sadd.s32 s3, s2  }
0x8d: {  	s2 =	sadd.s32 s2, s14  }
0x8e: {  	[smem:$0x3FB9] =	sst s2  }
0x8f: {  	_ = 	snop  }
0x90: {  	s2 =	sld [smem:$0x3FD0];
	_ =	sdelay $0x2  }
0x91: {  	s15 =	simm.s32 $0xA;
	s4 =	simm.s32 $0x10  }
0x92: {  	[smem:s4], [sflag:s15] =	dma.local [hbm:s2], $0x1  }
0x93: {  	_ =	swait.eq [sflag:s15], $0x1  }
0x94: {  	[sflag:s15] =	ssyncset.done $0x0  }
0x95: {  	s16 =	sld [smem:$0x10];
	[sflag:s15] =	ssyncadd.s32 $0xFFFFFFFF  }
0x96: {  	s17 =	sld [smem:$0x11];
	(tm) =	ssettm $0x1  }
0x97: {  	s18 =	sld [smem:$0x3FFB];
	_ =	sdelay $0x3  }
0x98: {  	_ =	strace s18  }
0x99: {  	s4 =	sld [smem:$0x3FFC];
	_ =	sdelay $0x3  }
0x9a: {  	_ =	strace s4  }
0x9b: {  	s4 =	sld [smem:$0x3FFD];
	_ =	sdelay $0x3  }
0x9c: {  	_ =	strace s4  }
0x9d: {  	_ =	strace $0x8FFFFFFF  }
0x9e: {  	s19 =	sld [smem:$0x3FDB];
	_ =	sdelay $0x1  }
0x9f: {  	s5 =	simm.s32 $_scs_section_size  }
0xa0: {  	s6 =	simm.s32 $_size__tile_overlayer_lowered;
	s7 =	simm.s32 $_tile_overlayer_lowered  }
0xa1: {  	s22 =	simm.s32 $0x1BFF;
	s21 =	sshll.u32 s7, $0x1;
	s4 =	sadd.s32 s5, s19  }
0xa2: {  	s8 =	simm.s32 $0x0;
	s20 =	sshll.u32 s6, $0x1;
	s6 =	sadd.s32 s21, s4  }
0xa3: {  	[timem:s8], [sflag:s22] =	dma.local [hbm:s6], s20  }
0xa4: {  	_ =	swait.ge [sflag:s22], s20  }
0xa5: {  	s5 =	ssub.s32 $0x0, s20;
	[sflag:s22] =	ssyncset.done $0x0  }
0xa6: {  	[sflag:s22] =	ssyncadd.s32 s5;
	_ =	sdelay $0x1  }
0xa7: {  	s23 =	simm.s32 $0x1B8B  }
0xa8: {  	_ =	swait.ge [sflag:s23], $0x1  }
0xa9: {  	[sflag:s23] =	ssyncset.done $0x0  }
0xaa: {  	s25 =	simm.s32 $0x1B8E;
	s24 =	sld [smem:$0x3FFE];
	[sflag:s23] =	ssyncadd.s32 $0xFFFFFFFF  }
0xab: {  	s26 =	simm.s32 $execute0_lowered;
	[smem:$0x3FD2] =	sst s25  }
0xac: {  	s6 =	sshll.u32 s26, $0x1;
	_ =	strace $0x80000046;
	[dreg:$0x1] =	wrdreg $0xFFFFFFFF  }
0xad: {  	s28 =	simm.s32 $_size_execute0_lowered;
	s4 =	sadd.s32 s4, s6;
	[dreg:$0x0] =	wrdreg $0x0  }
0xae: {  	s6 =	sshll.u32 s28, $0x1;
	[dreg:$0x2] =	wrdreg s4  }
0xaf: {  	[dreg:$0x3] =	wrdreg s6  }
0xb0: {  	[dreg:$0x4] =	wrdreg $0xC0  }
0xb1: {  	_ =	task [dreg:s8], $0x5FFFF  }
0xb2: {  	[dreg:$0x1] =	wrdreg $0xFFFFFFFF  }
0xb3: {  	[dreg:$0x0] =	wrdreg $0x60  }
0xb4: {  	[dreg:$0x2] =	wrdreg s17  }
0xb5: {  	[dreg:$0x3] =	wrdreg s24  }
0xb6: {  	[dreg:$0x4] =	wrdreg s16  }
0xb7: {  	[dreg:$0x5] =	wrdreg $0x96500  }
0xb8: {  	[dreg:$0x6] =	wrdreg $0x132900  }
0xb9: {  	[dreg:$0x7] =	wrdreg $0x9  }
0xba: {  	_ =	task.clear_ibuf [dreg:s8], $0x8FFFF;
	_ =	strace $0x90000046  }
0xbb: {  	s29 =	simm.s32 $0x9;
	_ =	strace $0x80000048  }
0xbc: {  	_ =	swait.ge [sflag:s29], $0x1  }
0xbd: {  	[sflag:s29] =	ssyncadd.s32 $0xFFFFFFFF  }
0xbe: {  	_ =	strace $0x90000048  }
0xbf: {  	_ =	sfence  }
0xc0: {  	s30 =	sld [smem:$0x0];
	_ =	sdelay $0x2  }
0xc1: {  	s31 =	sshll.u32 s1, $0xD;
	s1 =	sshrl.u32 s1, $0x2  }
0xc2: {  	s3 =	sand.u32 $0x4000, s31;
	s1 =	sadd.s32 s1, s30  }
0xc3: {  	s0 =	sor.u32 s3, s0;
	s1 =	sshll.u32 s1, $0x11  }
0xc4: {  	s0 =	sor.u32 s1, s0  }
0xc5: {  	s0 =	sadd.s32 $0x8F2B, s0  }
0xc6: {  	[sflag:s0] =	ssyncadd.remote.s32 $0x1  }
0xc7: {  	_ =	sfence.sel $0xFFFF  }
0xc8: {  	[dreg:$0x0] =	wrdreg $0xFFFFFFFF;
	(pc) =	sbr.abs _section_cstart, $3  }
0xc9: {  	[dreg:$0x1] =	wrdreg $0xFFFFFFFF  }
0xca: {  	_ =	task.clear_ibuf [dreg:s8], $0x2FFFF;
	_ =	strace $0x9FFFFFFF  }
0xcb: {  	(tm) =	ssettm $0x7FFFFFFF  }
tec
execute0_lowered:
.L_overlay_start_1:
0x0: {  	(tag) =	ssettag $0x1  }
0x1: {  	s0 =	rddreg [dreg:$0x0]  }
0x2: {  	s2 =	rddreg [dreg:$0x1]  }
0x3: {  	s1 =	srdreg.scid;
	s12 =	rddreg [dreg:$0x2]  }
0x4: {  	s23 =	stileid.u32;
	s3 =	rddreg [dreg:$0x3];
	s20 =	simm.s32 $0x7D  }
0x5: {  	s21 =	simm.s32 $0x5000;
	s22 =	simm.s32 $0x6F40;
	s28 =	simm.s32 $0x4F00  }
0x6: {  	s29 =	simm.s32 $0x4F80;
	s30 =	simm.s32 $0x0;
	s10 =	smul.u32 $0x4E20, s23  }
0x7: {  	s9 =	sand.u32 $0x1, s1;
	s7 =	sadd.s32 $0x5000, s2;
	s15 =	smul.u32 $0x13880, s23  }
0x8: {  	s26 =	sshll.u32 s23, $0x6;
	s4 =	sshll.u32 s9, $0x4;
	s8 =	smul.u32 $0x4E200, s9  }
0x9: {  	s14 =	ssub.s32 $0x2, s9;
	s16 =	smul.u32 $0x138800, s9;
	s9 =	sor.u32 $0x1C04, s26  }
0xa: {  	s5 =	sor.u32 s23, s4;
	s4 =	rddreg [dreg:$0x4];
	s24 =	sshrl.u32 s14, $0x1  }
0xb: {  	s25 =	sshrl.u32 s15, $0x1;
	s23 =	simm.s32 $0x1;
	s6 =	smul.u32 $0x2800, s5  }
0xc: {  	s5 =	simm.s32 $0x0;
	s8 =	sadd.s32 s10, s8;
	s14 =	ssub.s32 s14, s24  }
0xd: {  	s17 =	sadd.s32 s25, s3;
	s10 =	sshrl.u32 s10, $0x1;
	s31 =	sadd.s32 s15, s16  }
0xe: {  	s16 =	simm.s32 $0x4;
	s24 =	simm.s32 $0x3;
	s25 =	simm.s32 $0x2  }
0xf: {  	[smem:$0x7FF] =	sst s5;
	s13 =	sshrl.u32 s8, $0x4;
	s8 =	sadd.s32 $0x5600, s2  }
0x10: {  	s18 =	sadd.s32 s10, s4;
	s14 =	smax.u32 s14, $0x1;
	s15 =	sshrl.u32 s17, $0x3  }
0x11: {  	s6 =	sshrl.u32 s6, $0x3;
	_ =	strace $0x80000047;
	s17 =	sshrl.u32 s18, $0x3  }
0x12: {  	s18 =	simm.s32 $0x8E80;
	s11 =	sadd.s32 s6, s2;
	s6 =	sadd.s32 $0x3C00, s2  }
0x13: {  	s2 =	sadd.s32 s13, s2;
	s13 =	sshrl.u32 s31, $0x4;
	s10 =	sadd.s32 $0xF800, s11  }
0x14: {  	s11 =	sadd.s32 $0x5800, s11;
	s12 =	sadd.s32 s12, s13;
	s13 =	sadd.s32 $0x19800, s2  }
.LBB2_1:
0x15: {  	[spmem:s15], [sflag:s9] =	dma.local [hbm:s6], $0x1388  }
0x16: {  	_ =	swait.ge [sflag:s16], $0x1388  }
0x17: {  	[sflag:s16] =	ssyncset.done $0x0  }
0x18: {  	[sflag:s16] =	ssyncadd.s32 $0xFFFFEC78  }
0x19: {  	[spmem:s17], [sflag:s9] =	dma.local [hbm:s7], $0x4E2  }
0x1a: {  	_ =	swait.ge [sflag:s16], $0x4E2  }
0x1b: {  	[sflag:s16] =	ssyncset.done $0x0  }
0x1c: {  	[sflag:s16] =	ssyncadd.s32 $0xFFFFFB1E  }
0x1d: {  	[tilespmem:s18], [sflag:$0x4] =	stream.linear.gather [hbm4b:s8+s5], $0x7D0, $0x38;
	[tilespmem:$0x159A0] =	vst v63  }
0x1e: {  	_ =	swait.ge [sflag:s16], $0x7D0  }
0x1f: {  	[sflag:s16] =	ssyncset.done $0x0  }
0x20: {  	[sflag:s16] =	ssyncadd.s32 $0xFFFFF830  }
0x21: {  	[tilespmem:s5], [sflag:$0x4] =	stream.linear.gather [hbm4b:s10+s5], $0x2800, $0x38;
	[tilespmem:$0x159A0] =	vst v63  }
0x22: {  	_ =	swait.ge [sflag:s16], $0x2800  }
0x23: {  	[sflag:s16] =	ssyncset.done $0x0  }
0x24: {  	s1 =	simm.s32 $0x2800;
	[sflag:s16] =	ssyncadd.s32 $0xFFFFD800  }
0x25: {  	[tilespmem:s1], [sflag:$0x4] =	stream.linear.gather [hbm4b:s11+s5], $0x2800, $0x38;
	[tilespmem:$0x159A0] =	vst v63  }
0x26: {  	_ =	swait.ge [sflag:s16], $0x2800  }
0x27: {  	[sflag:s16] =	ssyncset.done $0x0  }
0x28: {  	[sflag:s16] =	ssyncadd.s32 $0xFFFFD800  }
0x29: {  	[bflag:$0x0] =	sbarrier.arrive $0xFFFF  }
0x2a: {  	[tilespmem:s21], [sflag:$0x1] =	stream.indirect.gather [hbm4b:s0+s20], $0x40, s5, s20, $0xb8;
	[tilespmem:$0x159A0] =	vst v63  }
0x2b: {  	s2 =	simm.s32 $0x80  }
0x2c: {  	[tilespmem:s22], [sflag:$0x2] =	stream.indirect.gather [hbm4b:s0+s20], $0x40, s2, s20, $0xb8;
	[tilespmem:$0x159A0] =	vst v63  }
0x2d: {  	_ =	swait.ge [sflag:s23], $0x1F40  }
0x2e: {  	[sflag:s23] =	ssyncset.done $0x0  }
0x2f: {  	s1 =	simm.s32 $0x2800;
	[sflag:s23] =	ssyncadd.s32 $0xFFFFE0C0  }
0x30: {  	[spmem:s4] =	stream.indirect.scatter.add.bf16 [tilespmem:s18], [sflag:$0x3], $0x10, s1, s20, $0xb8;
	[tilespmem:$0x159A0] =	vst v63  }
0x31: {  	_ = 	snop  }
0x32: {  	[spmem:s3] =	stream.indirect.scatter.add.bf16 [tilespmem:s21], [sflag:$0x4], $0x40, s1, s20, $0xb8;
	[tilespmem:$0x159A0] =	vst v63  }
0x33: {  	_ =	swait.ge [sflag:s16], $0x1F40  }
0x34: {  	[sflag:s16] =	ssyncset.done $0x0  }
0x35: {  	[sflag:s16] =	ssyncadd.s32 $0xFFFFE0C0  }
0x36: {  	_ =	swait.ge [sflag:s24], $0x7D0  }
0x37: {  	[sflag:s24] =	ssyncset.done $0x0  }
0x38: {  	s19 =	simm.s32 $0x100;
	[sflag:s24] =	ssyncadd.s32 $0xFFFFF830  }
0x39: {  	[tilespmem:s21], [sflag:$0x1] =	stream.indirect.gather [hbm4b:s0+s20], $0x40, s19, s20, $0xb8;
	[tilespmem:$0x159A0] =	vst v63  }
0x3a: {  	_ =	swait.ge [sflag:s25], $0x1F40  }
0x3b: {  	[sflag:s25] =	ssyncset.done $0x0  }
0x3c: {  	s26 =	simm.s32 $0x2880;
	[sflag:s25] =	ssyncadd.s32 $0xFFFFE0C0  }
0x3d: {  	[spmem:s4] =	stream.indirect.scatter.add.bf16 [tilespmem:s18], [sflag:$0x3], $0x10, s26, s20, $0xb8;
	[tilespmem:$0x159A0] =	vst v63  }
0x3e: {  	_ = 	snop  }
0x3f: {  	[spmem:s3] =	stream.indirect.scatter.add.bf16 [tilespmem:s22], [sflag:$0x4], $0x40, s26, s20, $0xb8;
	[tilespmem:$0x159A0] =	vst v63  }
0x40: {  	_ =	swait.ge [sflag:s16], $0x1F40  }
0x41: {  	[sflag:s16] =	ssyncset.done $0x0  }
0x42: {  	[sflag:s16] =	ssyncadd.s32 $0xFFFFE0C0  }
0x43: {  	_ =	swait.ge [sflag:s24], $0x7D0  }
0x44: {  	s31 =	simm.s32 $0x100;
	s2 =	simm.s32 $0x800;
	[sflag:s24] =	ssyncset.done $0x0  }
.LBB2_2:
0x45: {  	s1 =	sadd.s32 $0x80, s31  }
0x46: {  	[sflag:s24] =	ssyncadd.s32 $0xFFFFF830;
	s19 =	smov.u32 s2;
	s26 =	sadd.s32 $0x400, s2  }
0x47: {  	[tilespmem:s22], [sflag:$0x2] =	stream.indirect.gather [hbm4b:s0+s20], $0x40, s1, s20, $0xb8;
	[tilespmem:$0x159A0] =	vst v63  }
0x48: {  	p0 =	sne.s32 s2, $0x9800;
	_ =	swait.ge [sflag:s23], $0x1F40  }
0x49: {  	[sflag:s23] =	ssyncset.done $0x0  }
0x4a: {  	s1 =	sadd.s32 $0x2800, s31;
	[sflag:s23] =	ssyncadd.s32 $0xFFFFE0C0  }
0x4b: {  	[spmem:s4] =	stream.indirect.scatter.add.bf16 [tilespmem:s18], [sflag:$0x3], $0x10, s1, s20, $0xb8;
	[tilespmem:$0x159A0] =	vst v63  }
0x4c: {  	_ = 	snop  }
0x4d: {  	[spmem:s3] =	stream.indirect.scatter.add.bf16 [tilespmem:s21], [sflag:$0x4], $0x40, s1, s20, $0xb8;
	[tilespmem:$0x159A0] =	vst v63  }
0x4e: {  	_ =	swait.ge [sflag:s16], $0x1F40  }
0x4f: {  	[sflag:s16] =	ssyncset.done $0x0  }
0x50: {  	[sflag:s16] =	ssyncadd.s32 $0xFFFFE0C0  }
0x51: {  	_ =	swait.ge [sflag:s24], $0x7D0  }
0x52: {  	[sflag:s24] =	ssyncset.done $0x0  }
0x53: {  	s1 =	sadd.s32 $0x100, s31;
	[sflag:s24] =	ssyncadd.s32 $0xFFFFF830  }
0x54: {  	[tilespmem:s21], [sflag:$0x1] =	stream.indirect.gather [hbm4b:s0+s20], $0x40, s1, s20, $0xb8;
	[tilespmem:$0x159A0] =	vst v63  }
0x55: {  	_ =	swait.ge [sflag:s25], $0x1F40  }
0x56: {  	[sflag:s25] =	ssyncset.done $0x0  }
0x57: {  	s1 =	sadd.s32 $0x2880, s31;
	[sflag:s25] =	ssyncadd.s32 $0xFFFFE0C0  }
0x58: {  	[spmem:s4] =	stream.indirect.scatter.add.bf16 [tilespmem:s18], [sflag:$0x3], $0x10, s1, s20, $0xb8;
	[tilespmem:$0x159A0] =	vst v63  }
0x59: {  	_ = 	snop  }
0x5a: {  	[spmem:s3] =	stream.indirect.scatter.add.bf16 [tilespmem:s22], [sflag:$0x4], $0x40, s1, s20, $0xb8;
	[tilespmem:$0x159A0] =	vst v63  }
.Ltmp0:
0x5b: {  	_ =	swait.ge [sflag:s16], $0x1F40;
	(pc) =	sbr.rel @p0 .LBB2_2-.Ltmp0, $4  }
0x5c: {  	[sflag:s16] =	ssyncset.done $0x0  }
0x5d: {  	[sflag:s16] =	ssyncadd.s32 $0xFFFFE0C0  }
0x5e: {  	_ =	swait.ge [sflag:s24], $0x7D0  }
0x5f: {  	s2 =	smov.u32 s26;
	s31 =	sshra.s32 s19, $0x2;
	[sflag:s24] =	ssyncset.done $0x0  }
0x60: {  	s1 =	sadd.s32 $0x80, s31;
	[sflag:s24] =	ssyncadd.s32 $0xFFFFF830  }
0x61: {  	[tilespmem:s22], [sflag:$0x2] =	stream.indirect.gather [hbm4b:s0+s20], $0x40, s1, s20, $0xb8;
	[tilespmem:$0x159A0] =	vst v63  }
0x62: {  	_ =	swait.ge [sflag:s23], $0x1F40  }
0x63: {  	[sflag:s23] =	ssyncset.done $0x0  }
0x64: {  	s2 =	sadd.s32 $0x2800, s31;
	[sflag:s23] =	ssyncadd.s32 $0xFFFFE0C0  }
0x65: {  	[spmem:s4] =	stream.indirect.scatter.add.bf16 [tilespmem:s18], [sflag:$0x3], $0x10, s2, s20, $0xb8;
	[tilespmem:$0x159A0] =	vst v63  }
0x66: {  	_ = 	snop  }
0x67: {  	[spmem:s3] =	stream.indirect.scatter.add.bf16 [tilespmem:s21], [sflag:$0x4], $0x40, s2, s20, $0xb8;
	[tilespmem:$0x159A0] =	vst v63  }
0x68: {  	_ =	swait.ge [sflag:s16], $0x1F40  }
0x69: {  	[sflag:s16] =	ssyncset.done $0x0  }
0x6a: {  	[sflag:s16] =	ssyncadd.s32 $0xFFFFE0C0  }
0x6b: {  	_ =	swait.ge [sflag:s24], $0x7D0  }
0x6c: {  	[sflag:s24] =	ssyncset.done $0x0  }
0x6d: {  	s19 =	sadd.s32 $0x100, s31;
	[sflag:s24] =	ssyncadd.s32 $0xFFFFF830  }
0x6e: {  	[tilespmem:s21], [sflag:$0x1] =	stream.indirect.gather [hbm4b:s0+s20], $0x40, s19, s20, $0xb8;
	[tilespmem:$0x159A0] =	vst v63  }
0x6f: {  	_ =	swait.ge [sflag:s25], $0x1F40  }
0x70: {  	[sflag:s25] =	ssyncset.done $0x0  }
0x71: {  	s26 =	sadd.s32 $0x2880, s31;
	[sflag:s25] =	ssyncadd.s32 $0xFFFFE0C0  }
0x72: {  	[spmem:s4] =	stream.indirect.scatter.add.bf16 [tilespmem:s18], [sflag:$0x3], $0x10, s26, s20, $0xb8;
	[tilespmem:$0x159A0] =	vst v63  }
0x73: {  	_ = 	snop  }
0x74: {  	[spmem:s3] =	stream.indirect.scatter.add.bf16 [tilespmem:s22], [sflag:$0x4], $0x40, s26, s20, $0xb8;
	[tilespmem:$0x159A0] =	vst v63  }
0x75: {  	_ =	swait.ge [sflag:s16], $0x1F40  }
0x76: {  	[sflag:s16] =	ssyncset.done $0x0  }
0x77: {  	[sflag:s16] =	ssyncadd.s32 $0xFFFFE0C0  }
0x78: {  	_ =	swait.ge [sflag:s24], $0x7D0  }
0x79: {  	[sflag:s24] =	ssyncset.done $0x0  }
0x7a: {  	s31 =	simm.s32 $0x2780;
	[sflag:s24] =	ssyncadd.s32 $0xFFFFF830  }
0x7b: {  	[tilespmem:s22], [sflag:$0x2] =	stream.indirect.gather [hbm4b:s0+s20], $0x40, s31, s20, $0xb8;
	[tilespmem:$0x159A0] =	vst v63  }
0x7c: {  	_ =	swait.ge [sflag:s23], $0x1F40  }
0x7d: {  	[sflag:s23] =	ssyncset.done $0x0  }
0x7e: {  	[sflag:s23] =	ssyncadd.s32 $0xFFFFE0C0  }
0x7f: {  	[spmem:s4] =	stream.indirect.scatter.add.bf16 [tilespmem:s18], [sflag:$0x3], $0x10, s28, s20, $0xb8;
	[tilespmem:$0x159A0] =	vst v63  }
0x80: {  	_ = 	snop  }
0x81: {  	[spmem:s3] =	stream.indirect.scatter.add.bf16 [tilespmem:s21], [sflag:$0x4], $0x40, s28, s20, $0xb8;
	[tilespmem:$0x159A0] =	vst v63  }
0x82: {  	_ =	swait.ge [sflag:s16], $0x1F40  }
0x83: {  	[sflag:s16] =	ssyncset.done $0x0  }
0x84: {  	[sflag:s16] =	ssyncadd.s32 $0xFFFFE0C0  }
0x85: {  	_ =	swait.ge [sflag:s24], $0x7D0  }
0x86: {  	[sflag:s24] =	ssyncset.done $0x0  }
0x87: {  	[sflag:s24] =	ssyncadd.s32 $0xFFFFF830  }
0x88: {  	_ =	swait.ge [sflag:s25], $0x1F40  }
0x89: {  	[sflag:s25] =	ssyncset.done $0x0  }
0x8a: {  	[sflag:s25] =	ssyncadd.s32 $0xFFFFE0C0  }
0x8b: {  	[spmem:s4] =	stream.indirect.scatter.add.bf16 [tilespmem:s18], [sflag:$0x3], $0x10, s29, s20, $0xb8;
	[tilespmem:$0x159A0] =	vst v63  }
0x8c: {  	_ = 	snop  }
0x8d: {  	[spmem:s3] =	stream.indirect.scatter.add.bf16 [tilespmem:s22], [sflag:$0x4], $0x40, s29, s20, $0xb8;
	[tilespmem:$0x159A0] =	vst v63  }
0x8e: {  	_ =	swait.ge [sflag:s16], $0x1F40  }
0x8f: {  	[sflag:s16] =	ssyncset.done $0x0  }
0x90: {  	[sflag:s16] =	ssyncadd.s32 $0xFFFFE0C0  }
0x91: {  	_ =	swait.ge [sflag:s24], $0x7D0  }
0x92: {  	[sflag:s24] =	ssyncset.done $0x0  }
0x93: {  	[sflag:s24] =	ssyncadd.s32 $0xFFFFF830  }
0x94: {  	[bflag:$0x0] =	sbarrier.arrive $0xFFFF  }
0x95: {  	[hbm:s12], [sflag:s9] =	dma.local [spmem:s15], $0x1388  }
0x96: {  	s30 =	sadd.s32 $0x1, s30;
	_ =	swait.ge [sflag:s16], $0x1388  }
0x97: {  	p0 =	sne.s32 s30, s14;
	[sflag:s16] =	ssyncset.done $0x0  }
.Ltmp1:
0x98: {  	[sflag:s16] =	ssyncadd.s32 $0xFFFFEC78;
	(pc) =	sbr.rel @p0 .LBB2_1-.Ltmp1, $4  }
0x99: {  	[hbm:s13], [sflag:s9] =	dma.local [spmem:s17], $0x4E2  }
0x9a: {  	_ =	swait.ge [sflag:s16], $0x4E2  }
0x9b: {  	[sflag:s16] =	ssyncset.done $0x0  }
0x9c: {  	[sflag:s16] =	ssyncadd.s32 $0xFFFFFB1E  }
0x9d: {  	_ =	sfence.sel $0x180000  }
0x9e: {  	[bflag:$0x0] =	sbarrier.arrive $0xFFFF  }
0x9f: {  	_ =	strace $0x90000047  }
0xa0: {  	s0 =	stileid.u32;
	[bflag:$0x2] =	sbarrier.arrive $0xFFFF  }
0xa1: {  	p0 =	sne.s32 s0, $0x0;
	s0 =	rddreg [dreg:$0x5]  }
0xa2: {  	s0 =	sadd.s32 @!p0 $0x100000, s0  }
0xa3: {  	[sflag:s0] =	ssyncadd.tile.s32 @!p0 $0x1;
	_ =	shalt  }
.Lfunc_end2:
_tile_overlayer_lowered:
.L_overlay_start_2:
0xa4: {  	(tag) =	ssettag $0x2  }
0xa5: {  	s0 =	rddreg [dreg:$0x0];
	s2 =	stileid.u32  }
0xa6: {  	s1 =	rddreg [dreg:$0x1];
	p0 =	sne.s32 s2, $0x0  }
0xa7: {  	s3 =	rddreg [dreg:$0x2];
	[bflag:$0x3] =	sbarrier.arrive $0xFFFF;
	s2 =	simm.s32 @!p0 $0x1C04  }
0xa8: {  	[timem:s3], [sflag:s2] =	dma.local @!p0 [hbm:s0], s1  }
0xa9: {  	s0 =	simm.s32 @!p0 $0x4  }
0xaa: {  	_ =	swait.ge @!p0 [sflag:s0], s1  }
0xab: {  	s1 =	ssub.s32 @!p0 $0x0, s1;
	[sflag:s0] =	ssyncset.done @!p0 $0x0  }
0xac: {  	[sflag:s0] =	ssyncadd.s32 @!p0 s1  }
0xad: {  	[bflag:$0x3] =	sbarrier.arrive $0xFFFF  }
0xae: {  	_ =	shalt  }

// kernel: kernel.9.cloned.1.call-start
scs
__scs_entry_jumppad:
0x0: {  	(pc) =	sbr.rel $0x88, $3  }
0x1: {  	(tag) =	ssettag $0x0;
	lr =	simm.s32 $0x1  }
0x2: {  	[smem:$0x3F92] =	sst lr;
	_ =	strace $0xD0000000  }
0x3: {  	_ = 	snop  }
0x4: {  	_ = 	snop  }
0x5: {  	_ = 	snop  }
0x6: {  	_ = 	snop  }
0x7: {  	_ = 	snop  }
__scs_overlays_trampoline_lowered:
0x8: {  	[smem:$0x3FA1] =	sst s0  }
0x9: {  	[smem:$0x3FA2] =	sst s1  }
0xa: {  	[smem:$0x3FA3] =	sst s2  }
0xb: {  	[smem:$0x3FA4] =	sst s3  }
0xc: {  	[smem:$0x3FA5] =	sst s4  }
0xd: {  	[smem:$0x3FA6] =	sst s5  }
0xe: {  	[smem:$0x3FA7] =	sst s6  }
0xf: {  	[smem:$0x3FA8] =	sst s7  }
0x10: {  	[smem:$0x3FA9] =	sst s8  }
0x11: {  	[smem:$0x3FAA] =	sst s9;
	s0 =	simm.s32 @!p0 $0x0  }
0x12: {  	s1 =	sld [smem:$0x3F90];
	s0 =	simm.s32 @p0 $0x1  }
0x13: {  	[smem:$0x3FAB] =	sst s0;
	s0 =	simm.s32 @!p1 $0x0  }
0x14: {  	s2 =	sld [smem:$0x3F8F];
	s0 =	simm.s32 @p1 $0x1  }
0x15: {  	[smem:$0x3FAC] =	sst s0;
	s0 =	simm.s32 @!p2 $0x0  }
0x16: {  	s3 =	sld [smem:$0x3FDB];
	s0 =	simm.s32 @p2 $0x1  }
0x17: {  	s4 =	simm.s32 $0x1BF5;
	[smem:$0x3FAE] =	sst s0  }
0x18: {  	s0 =	sld [smem:$0x3F91];
	_ =	swait.ge [sflag:s4], $0x0  }
0x19: {  	s7 =	sld [smem:$0x3F92]  }
0x1a: {  	s8 =	sadd.s32 $0xFFFFE003, lr  }
0x1b: {  	s9 =	sadd.s32 $0xFFFFFEF7, lr;
	s5 =	simm.s32 $0xFFFFFFFF;
	p2 =	slt.u32 s8, $0xFFFFF086  }
0x1c: {  	p1 =	slt.u32 s9, $0xF7A;
	s5 =	simm.s32 @!p2 $0x0  }
0x1d: {  	s5 =	simm.s32 @p1 $0x1;
	p0 =	seq.s32 s7, s2  }
0x1e: {  	s7 =	smul.u32 @!p0 $0xF7A, s2;
	p2 =	seq.s32 @!p0 s5, $0x0  }
0x1f: {  	s9 =	smul.u32 $0xF7A, s1;
	s8 =	simm.s32 @!p0 $0x1BF5;
	p2 =	por !p2, p0  }
0x20: {  	[sflag:s8] =	ssyncset.s32 @!p0 $0xFFFFF086;
	s6 =	sadd.s32 @!p0 s3, s7;
	s7 =	simm.s32 @!p0 $0x108  }
0x21: {  	s3 =	sadd.s32 s3, s9;
	s6 =	sadd.s32 @!p0 $0x88, s6;
	s7 =	simm.s32 @p2 $0x1082  }
0x22: {  	[simem:s7], [sflag:s8] =	dma.local @!p0 [hbm:s6], $0xF7A  }
0x23: {  	s9 =	sor.u32 $0xD0000000, s2;
	s6 =	simm.s32 $0x108;
	_ =	swait.ge @!p0 [sflag:s8], $0x0  }
0x24: {  	s3 =	sadd.s32 $0x88, s3;
	s6 =	simm.s32 @!p1 $0x1082;
	[sflag:s4] =	ssyncset.s32 $0xFFFFF086  }
0x25: {  	[simem:s6], [sflag:s4] =	dma.local [hbm:s3], $0xF7A  }
0x26: {  	[smem:$0x3F92] =	sst s1;
	(tag) =	ssettag s2;
	_ =	strace s9  }
0x27: {  	s1 =	sld [smem:$0x3FA2]  }
0x28: {  	s2 =	sld [smem:$0x3FA3]  }
0x29: {  	s4 =	sld [smem:$0x3FA5]  }
0x2a: {  	p0 =	seq.s32 s5, $0x0;
	s5 =	sld [smem:$0x3FA6]  }
0x2b: {  	s6 =	sld [smem:$0x3FA7]  }
0x2c: {  	s7 =	sld [smem:$0x3FA8]  }
0x2d: {  	s3 =	simm.s32 $0x108;
	s8 =	sld [smem:$0x3FA9]  }
0x2e: {  	s3 =	simm.s32 @!p0 $0x1082;
	s9 =	sld [smem:$0x3FAA]  }
0x2f: {  	lr =	sadd.s32 s0, s3;
	s0 =	sld [smem:$0x3FA1]  }
0x30: {  	s3 =	sld [smem:$0x3FA4]  }
0x31: {  	[smem:$0x3FAD] =	sst s10  }
0x32: {  	s10 =	sld [smem:$0x3FAB];
	_ =	sdelay $0x3  }
0x33: {  	p0 =	seq.s32 s10, $0x1;
	s10 =	sld [smem:$0x3FAD];
	_ =	sdelay $0x3  }
0x34: {  	[smem:$0x3FAD] =	sst s10  }
0x35: {  	s10 =	sld [smem:$0x3FAC];
	_ =	sdelay $0x3  }
0x36: {  	p1 =	seq.s32 s10, $0x1;
	s10 =	sld [smem:$0x3FAD];
	_ =	sdelay $0x3  }
0x37: {  	[smem:$0x3FAD] =	sst s10  }
0x38: {  	s10 =	sld [smem:$0x3FAE]  }
0x39: {  	_ = 	snop;
	(pc) =	sbr.ind lr, $3  }
0x3a: {  	_ = 	snop  }
0x3b: {  	_ = 	snop  }
0x3c: {  	p2 =	seq.s32 s10, $0x1;
	s10 =	sld [smem:$0x3FAD]  }
0x3d: {  	_ =	shalt  }
0x3e: {  	_ =	shalt  }
0x3f: {  	_ =	shalt  }
0x40: {  	_ =	shalt  }
0x41: {  	_ =	shalt  }
0x42: {  	_ =	shalt  }
0x43: {  	_ =	shalt  }
0x44: {  	_ =	shalt  }
0x45: {  	_ =	shalt  }
0x46: {  	_ =	shalt  }
0x47: {  	_ =	shalt  }
0x48: {  	_ =	shalt  }
0x49: {  	_ =	shalt  }
0x4a: {  	_ =	shalt  }
0x4b: {  	_ =	shalt  }
0x4c: {  	_ =	shalt  }
0x4d: {  	_ =	shalt  }
0x4e: {  	_ =	shalt  }
0x4f: {  	_ =	shalt  }
0x50: {  	_ =	shalt  }
0x51: {  	_ =	shalt  }
0x52: {  	_ =	shalt  }
0x53: {  	_ =	shalt  }
0x54: {  	_ =	shalt  }
0x55: {  	_ =	shalt  }
0x56: {  	_ =	shalt  }
0x57: {  	_ =	shalt  }
0x58: {  	_ =	shalt  }
0x59: {  	_ =	shalt  }
0x5a: {  	_ =	shalt  }
0x5b: {  	_ =	shalt  }
0x5c: {  	_ =	shalt  }
0x5d: {  	_ =	shalt  }
0x5e: {  	_ =	shalt  }
0x5f: {  	_ =	shalt  }
0x60: {  	_ =	shalt  }
0x61: {  	_ =	shalt  }
0x62: {  	_ =	shalt  }
0x63: {  	_ =	shalt  }
0x64: {  	_ =	shalt  }
0x65: {  	_ =	shalt  }
0x66: {  	_ =	shalt  }
0x67: {  	_ =	shalt  }
0x68: {  	_ =	shalt  }
0x69: {  	_ =	shalt  }
0x6a: {  	_ =	shalt  }
0x6b: {  	_ =	shalt  }
0x6c: {  	_ =	shalt  }
0x6d: {  	_ =	shalt  }
0x6e: {  	_ =	shalt  }
0x6f: {  	_ =	shalt  }
0x70: {  	_ =	shalt  }
0x71: {  	_ =	shalt  }
0x72: {  	_ =	shalt  }
0x73: {  	_ =	shalt  }
0x74: {  	_ =	shalt  }
0x75: {  	_ =	shalt  }
0x76: {  	_ =	shalt  }
0x77: {  	_ =	shalt  }
0x78: {  	_ =	shalt  }
0x79: {  	_ =	shalt  }
0x7a: {  	_ =	shalt  }
0x7b: {  	_ =	shalt  }
0x7c: {  	_ =	shalt  }
0x7d: {  	_ =	shalt  }
0x7e: {  	_ =	shalt  }
0x7f: {  	_ =	shalt  }
0x80: {  	_ =	shalt  }
0x81: {  	_ =	shalt  }
0x82: {  	_ =	shalt  }
0x83: {  	_ =	shalt  }
0x84: {  	_ =	shalt  }
0x85: {  	_ =	shalt  }
0x86: {  	_ =	shalt  }
0x87: {  	_ =	shalt  }
.Lfunc_end0:
.L_simem_size_0:
called_computation.1_lowered:
.L_overlay_start_0:
0x88: {  	s2 =	sld [smem:$0x3FD9]  }
0x89: {  	s3 =	sld [smem:$0x3FFE];
	_ =	sdelay $0x1  }
0x8a: {  	s1 =	srdreg.scid  }
0x8b: {  	s0 =	sand.u32 $0x1, s1  }
0x8c: {  	s14 =	sshll.u32 s0, $0xA;
	s2 =	sadd.s32 s3, s2  }
0x8d: {  	s2 =	sadd.s32 s2, s14  }
0x8e: {  	[smem:$0x3FB9] =	sst s2  }
0x8f: {  	_ = 	snop  }
0x90: {  	s2 =	sld [smem:$0x3FD0];
	_ =	sdelay $0x2  }
0x91: {  	s15 =	simm.s32 $0xA;
	s4 =	simm.s32 $0x10  }
0x92: {  	[smem:s4], [sflag:s15] =	dma.local [hbm:s2], $0x1  }
0x93: {  	_ =	swait.eq [sflag:s15], $0x1  }
0x94: {  	[sflag:s15] =	ssyncset.done $0x0  }
0x95: {  	[sflag:s15] =	ssyncadd.s32 $0xFFFFFFFF  }
0x96: {  	s16 =	sld [smem:$0x10];
	(tm) =	ssettm $0x1  }
0x97: {  	s17 =	sld [smem:$0x3FFB];
	_ =	sdelay $0x3  }
0x98: {  	_ =	strace s17  }
0x99: {  	s3 =	sld [smem:$0x3FFC];
	_ =	sdelay $0x3  }
0x9a: {  	_ =	strace s3  }
0x9b: {  	s3 =	sld [smem:$0x3FFD];
	_ =	sdelay $0x3  }
0x9c: {  	_ =	strace s3  }
0x9d: {  	_ =	strace $0x8FFFFFFF  }
0x9e: {  	s18 =	sld [smem:$0x3FDB];
	_ =	sdelay $0x1  }
0x9f: {  	s19 =	simm.s32 $_scs_section_size  }
0xa0: {  	s5 =	simm.s32 $_size__tile_overlayer_lowered;
	s6 =	simm.s32 $_tile_overlayer_lowered  }
0xa1: {  	s22 =	simm.s32 $0x1BFF;
	s21 =	sshll.u32 s6, $0x1;
	s3 =	sadd.s32 s19, s18  }
0xa2: {  	s7 =	simm.s32 $0x0;
	s20 =	sshll.u32 s5, $0x1;
	s5 =	sadd.s32 s21, s3  }
0xa3: {  	[timem:s7], [sflag:s22] =	dma.local [hbm:s5], s20  }
0xa4: {  	_ =	swait.ge [sflag:s22], s20  }
0xa5: {  	s4 =	ssub.s32 $0x0, s20;
	[sflag:s22] =	ssyncset.done $0x0  }
0xa6: {  	[sflag:s22] =	ssyncadd.s32 s4;
	_ =	sdelay $0x1  }
0xa7: {  	s23 =	simm.s32 $0x1B8B  }
0xa8: {  	_ =	swait.ge [sflag:s23], $0x1  }
0xa9: {  	[sflag:s23] =	ssyncset.done $0x0  }
0xaa: {  	s25 =	simm.s32 $0x1B8E;
	s24 =	sld [smem:$0x3FFE];
	[sflag:s23] =	ssyncadd.s32 $0xFFFFFFFF  }
0xab: {  	s26 =	simm.s32 $execute0_lowered;
	[smem:$0x3FD2] =	sst s25  }
0xac: {  	s5 =	sshll.u32 s26, $0x1;
	_ =	strace $0x80000049;
	[dreg:$0x1] =	wrdreg $0xFFFFFFFF  }
0xad: {  	s28 =	simm.s32 $_size_execute0_lowered;
	s3 =	sadd.s32 s3, s5;
	[dreg:$0x0] =	wrdreg $0x0  }
0xae: {  	s5 =	sshll.u32 s28, $0x1;
	[dreg:$0x2] =	wrdreg s3  }
0xaf: {  	[dreg:$0x3] =	wrdreg s5  }
0xb0: {  	[dreg:$0x4] =	wrdreg $0xC0  }
0xb1: {  	_ =	task [dreg:s7], $0x5FFFF  }
0xb2: {  	[dreg:$0x1] =	wrdreg $0xFFFFFFFF  }
0xb3: {  	[dreg:$0x0] =	wrdreg $0x60  }
0xb4: {  	[dreg:$0x2] =	wrdreg s24  }
0xb5: {  	[dreg:$0x3] =	wrdreg s16  }
0xb6: {  	[dreg:$0x4] =	wrdreg $0x96500  }
0xb7: {  	[dreg:$0x5] =	wrdreg $0x132900  }
0xb8: {  	[dreg:$0x6] =	wrdreg $0x9  }
0xb9: {  	_ =	task.clear_ibuf [dreg:s7], $0x7FFFF;
	_ =	strace $0x90000049  }
0xba: {  	s29 =	simm.s32 $0x9;
	_ =	strace $0x8000004B  }
0xbb: {  	_ =	swait.ge [sflag:s29], $0x1  }
0xbc: {  	[sflag:s29] =	ssyncadd.s32 $0xFFFFFFFF  }
0xbd: {  	_ =	strace $0x9000004B  }
0xbe: {  	_ =	sfence  }
0xbf: {  	s30 =	sld [smem:$0x0];
	_ =	sdelay $0x2  }
0xc0: {  	s31 =	sshll.u32 s1, $0xD;
	s1 =	sshrl.u32 s1, $0x2  }
0xc1: {  	s3 =	sand.u32 $0x4000, s31;
	s1 =	sadd.s32 s1, s30  }
0xc2: {  	s0 =	sor.u32 s3, s0;
	s1 =	sshll.u32 s1, $0x11  }
0xc3: {  	s0 =	sor.u32 s1, s0  }
0xc4: {  	s0 =	sadd.s32 $0x8F2B, s0  }
0xc5: {  	[sflag:s0] =	ssyncadd.remote.s32 $0x1  }
0xc6: {  	_ =	sfence.sel $0xFFFF  }
0xc7: {  	[dreg:$0x0] =	wrdreg $0xFFFFFFFF;
	(pc) =	sbr.abs _section_cstart, $3  }
0xc8: {  	[dreg:$0x1] =	wrdreg $0xFFFFFFFF  }
0xc9: {  	_ =	task.clear_ibuf [dreg:s7], $0x2FFFF;
	_ =	strace $0x9FFFFFFF  }
0xca: {  	(tm) =	ssettm $0x7FFFFFFF  }
0xcb: {  	_ =	shalt  }
tec
execute0_lowered:
.L_overlay_start_1:
0x0: {  	(tag) =	ssettag $0x1  }
0x1: {  	s0 =	srdreg.scid;
	s1 =	rddreg [dreg:$0x0]  }
0x2: {  	s12 =	rddreg [dreg:$0x1];
	s23 =	stileid.u32  }
0x3: {  	s2 =	rddreg [dreg:$0x2];
	s20 =	simm.s32 $0x7D;
	s21 =	simm.s32 $0x5000  }
0x4: {  	s22 =	simm.s32 $0x6F40;
	s28 =	simm.s32 $0x4F00;
	s29 =	simm.s32 $0x4F80  }
0x5: {  	s30 =	simm.s32 $0x0;
	s9 =	sand.u32 $0x1, s0;
	s10 =	smul.u32 $0x4E20, s23  }
0x6: {  	s7 =	sadd.s32 $0x5000, s1;
	s15 =	smul.u32 $0x13880, s23;
	s26 =	sshll.u32 s23, $0x6  }
0x7: {  	s3 =	sshll.u32 s9, $0x4;
	s8 =	smul.u32 $0x4E200, s9;
	s14 =	ssub.s32 $0x2, s9  }
0x8: {  	s16 =	smul.u32 $0x138800, s9;
	s9 =	sor.u32 $0x1C04, s26;
	s4 =	sor.u32 s23, s3  }
0x9: {  	s3 =	rddreg [dreg:$0x3];
	s24 =	sshrl.u32 s14, $0x1;
	s25 =	sshrl.u32 s15, $0x1  }
0xa: {  	s23 =	simm.s32 $0x1;
	s5 =	smul.u32 $0x2800, s4;
	s4 =	simm.s32 $0x0  }
0xb: {  	s8 =	sadd.s32 s10, s8;
	s14 =	ssub.s32 s14, s24;
	s17 =	sadd.s32 s25, s2  }
0xc: {  	s10 =	sshrl.u32 s10, $0x1;
	s31 =	sadd.s32 s15, s16;
	s16 =	simm.s32 $0x4  }
0xd: {  	s24 =	simm.s32 $0x3;
	s25 =	simm.s32 $0x2;
	[smem:$0x7FF] =	sst s4  }
0xe: {  	s13 =	sshrl.u32 s8, $0x4;
	s8 =	sadd.s32 $0x5600, s1;
	s18 =	sadd.s32 s10, s3  }
0xf: {  	s14 =	smax.u32 s14, $0x1;
	s15 =	sshrl.u32 s17, $0x3;
	s6 =	sshrl.u32 s5, $0x3  }
0x10: {  	_ =	strace $0x8000004A;
	s5 =	sadd.s32 $0x19800, s1;
	s17 =	sshrl.u32 s18, $0x3  }
0x11: {  	s18 =	simm.s32 $0x8E80;
	s11 =	sadd.s32 s6, s1;
	s6 =	sadd.s32 $0x3C00, s1  }
0x12: {  	s1 =	sadd.s32 s13, s1;
	s13 =	sshrl.u32 s31, $0x4;
	s10 =	sadd.s32 $0x5800, s11  }
0x13: {  	s11 =	sadd.s32 $0xF800, s11;
	s12 =	sadd.s32 s12, s13;
	s13 =	sadd.s32 $0x2D200, s1  }
.LBB2_1:
0x14: {  	[spmem:s15], [sflag:s9] =	dma.local [hbm:s6], $0x1388  }
0x15: {  	_ =	swait.ge [sflag:s16], $0x1388  }
0x16: {  	[sflag:s16] =	ssyncset.done $0x0  }
0x17: {  	[sflag:s16] =	ssyncadd.s32 $0xFFFFEC78  }
0x18: {  	[spmem:s17], [sflag:s9] =	dma.local [hbm:s7], $0x4E2  }
0x19: {  	_ =	swait.ge [sflag:s16], $0x4E2  }
0x1a: {  	[sflag:s16] =	ssyncset.done $0x0  }
0x1b: {  	[sflag:s16] =	ssyncadd.s32 $0xFFFFFB1E  }
0x1c: {  	[tilespmem:s18], [sflag:$0x4] =	stream.linear.gather [hbm4b:s8+s4], $0x7D0, $0x38;
	[tilespmem:$0x159A0] =	vst v63  }
0x1d: {  	_ =	swait.ge [sflag:s16], $0x7D0  }
0x1e: {  	[sflag:s16] =	ssyncset.done $0x0  }
0x1f: {  	[sflag:s16] =	ssyncadd.s32 $0xFFFFF830  }
0x20: {  	[tilespmem:s4], [sflag:$0x4] =	stream.linear.gather [hbm4b:s10+s4], $0x2800, $0x38;
	[tilespmem:$0x159A0] =	vst v63  }
0x21: {  	_ =	swait.ge [sflag:s16], $0x2800  }
0x22: {  	[sflag:s16] =	ssyncset.done $0x0  }
0x23: {  	s0 =	simm.s32 $0x2800;
	[sflag:s16] =	ssyncadd.s32 $0xFFFFD800  }
0x24: {  	[tilespmem:s0], [sflag:$0x4] =	stream.linear.gather [hbm4b:s11+s4], $0x2800, $0x38;
	[tilespmem:$0x159A0] =	vst v63  }
0x25: {  	_ =	swait.ge [sflag:s16], $0x2800  }
0x26: {  	[sflag:s16] =	ssyncset.done $0x0  }
0x27: {  	[sflag:s16] =	ssyncadd.s32 $0xFFFFD800  }
0x28: {  	[bflag:$0x0] =	sbarrier.arrive $0xFFFF  }
0x29: {  	[tilespmem:s21], [sflag:$0x1] =	stream.indirect.gather [hbm4b:s5+s20], $0x40, s4, s20, $0xb8;
	[tilespmem:$0x159A0] =	vst v63  }
0x2a: {  	s1 =	simm.s32 $0x80  }
0x2b: {  	[tilespmem:s22], [sflag:$0x2] =	stream.indirect.gather [hbm4b:s5+s20], $0x40, s1, s20, $0xb8;
	[tilespmem:$0x159A0] =	vst v63  }
0x2c: {  	_ =	swait.ge [sflag:s23], $0x1F40  }
0x2d: {  	[sflag:s23] =	ssyncset.done $0x0  }
0x2e: {  	s0 =	simm.s32 $0x2800;
	[sflag:s23] =	ssyncadd.s32 $0xFFFFE0C0  }
0x2f: {  	[spmem:s3] =	stream.indirect.scatter.add.bf16 [tilespmem:s18], [sflag:$0x3], $0x10, s0, s20, $0xb8;
	[tilespmem:$0x159A0] =	vst v63  }
0x30: {  	_ = 	snop  }
0x31: {  	[spmem:s2] =	stream.indirect.scatter.add.bf16 [tilespmem:s21], [sflag:$0x4], $0x40, s0, s20, $0xb8;
	[tilespmem:$0x159A0] =	vst v63  }
0x32: {  	_ =	swait.ge [sflag:s16], $0x1F40  }
0x33: {  	[sflag:s16] =	ssyncset.done $0x0  }
0x34: {  	[sflag:s16] =	ssyncadd.s32 $0xFFFFE0C0  }
0x35: {  	_ =	swait.ge [sflag:s24], $0x7D0  }
0x36: {  	[sflag:s24] =	ssyncset.done $0x0  }
0x37: {  	s19 =	simm.s32 $0x100;
	[sflag:s24] =	ssyncadd.s32 $0xFFFFF830  }
0x38: {  	[tilespmem:s21], [sflag:$0x1] =	stream.indirect.gather [hbm4b:s5+s20], $0x40, s19, s20, $0xb8;
	[tilespmem:$0x159A0] =	vst v63  }
0x39: {  	_ =	swait.ge [sflag:s25], $0x1F40  }
0x3a: {  	[sflag:s25] =	ssyncset.done $0x0  }
0x3b: {  	s26 =	simm.s32 $0x2880;
	[sflag:s25] =	ssyncadd.s32 $0xFFFFE0C0  }
0x3c: {  	[spmem:s3] =	stream.indirect.scatter.add.bf16 [tilespmem:s18], [sflag:$0x3], $0x10, s26, s20, $0xb8;
	[tilespmem:$0x159A0] =	vst v63  }
0x3d: {  	_ = 	snop  }
0x3e: {  	[spmem:s2] =	stream.indirect.scatter.add.bf16 [tilespmem:s22], [sflag:$0x4], $0x40, s26, s20, $0xb8;
	[tilespmem:$0x159A0] =	vst v63  }
0x3f: {  	_ =	swait.ge [sflag:s16], $0x1F40  }
0x40: {  	[sflag:s16] =	ssyncset.done $0x0  }
0x41: {  	[sflag:s16] =	ssyncadd.s32 $0xFFFFE0C0  }
0x42: {  	_ =	swait.ge [sflag:s24], $0x7D0  }
0x43: {  	s31 =	simm.s32 $0x100;
	s1 =	simm.s32 $0x800;
	[sflag:s24] =	ssyncset.done $0x0  }
.LBB2_2:
0x44: {  	s0 =	sadd.s32 $0x80, s31  }
0x45: {  	[sflag:s24] =	ssyncadd.s32 $0xFFFFF830;
	s19 =	smov.u32 s1;
	s26 =	sadd.s32 $0x400, s1  }
0x46: {  	[tilespmem:s22], [sflag:$0x2] =	stream.indirect.gather [hbm4b:s5+s20], $0x40, s0, s20, $0xb8;
	[tilespmem:$0x159A0] =	vst v63  }
0x47: {  	p0 =	sne.s32 s1, $0x9800;
	_ =	swait.ge [sflag:s23], $0x1F40  }
0x48: {  	[sflag:s23] =	ssyncset.done $0x0  }
0x49: {  	s0 =	sadd.s32 $0x2800, s31;
	[sflag:s23] =	ssyncadd.s32 $0xFFFFE0C0  }
0x4a: {  	[spmem:s3] =	stream.indirect.scatter.add.bf16 [tilespmem:s18], [sflag:$0x3], $0x10, s0, s20, $0xb8;
	[tilespmem:$0x159A0] =	vst v63  }
0x4b: {  	_ = 	snop  }
0x4c: {  	[spmem:s2] =	stream.indirect.scatter.add.bf16 [tilespmem:s21], [sflag:$0x4], $0x40, s0, s20, $0xb8;
	[tilespmem:$0x159A0] =	vst v63  }
0x4d: {  	_ =	swait.ge [sflag:s16], $0x1F40  }
0x4e: {  	[sflag:s16] =	ssyncset.done $0x0  }
0x4f: {  	[sflag:s16] =	ssyncadd.s32 $0xFFFFE0C0  }
0x50: {  	_ =	swait.ge [sflag:s24], $0x7D0  }
0x51: {  	[sflag:s24] =	ssyncset.done $0x0  }
0x52: {  	s0 =	sadd.s32 $0x100, s31;
	[sflag:s24] =	ssyncadd.s32 $0xFFFFF830  }
0x53: {  	[tilespmem:s21], [sflag:$0x1] =	stream.indirect.gather [hbm4b:s5+s20], $0x40, s0, s20, $0xb8;
	[tilespmem:$0x159A0] =	vst v63  }
0x54: {  	_ =	swait.ge [sflag:s25], $0x1F40  }
0x55: {  	[sflag:s25] =	ssyncset.done $0x0  }
0x56: {  	s0 =	sadd.s32 $0x2880, s31;
	[sflag:s25] =	ssyncadd.s32 $0xFFFFE0C0  }
0x57: {  	[spmem:s3] =	stream.indirect.scatter.add.bf16 [tilespmem:s18], [sflag:$0x3], $0x10, s0, s20, $0xb8;
	[tilespmem:$0x159A0] =	vst v63  }
0x58: {  	_ = 	snop  }
0x59: {  	[spmem:s2] =	stream.indirect.scatter.add.bf16 [tilespmem:s22], [sflag:$0x4], $0x40, s0, s20, $0xb8;
	[tilespmem:$0x159A0] =	vst v63  }
.Ltmp0:
0x5a: {  	_ =	swait.ge [sflag:s16], $0x1F40;
	(pc) =	sbr.rel @p0 .LBB2_2-.Ltmp0, $4  }
0x5b: {  	[sflag:s16] =	ssyncset.done $0x0  }
0x5c: {  	[sflag:s16] =	ssyncadd.s32 $0xFFFFE0C0  }
0x5d: {  	_ =	swait.ge [sflag:s24], $0x7D0  }
0x5e: {  	s1 =	smov.u32 s26;
	s31 =	sshra.s32 s19, $0x2;
	[sflag:s24] =	ssyncset.done $0x0  }
0x5f: {  	s0 =	sadd.s32 $0x80, s31;
	[sflag:s24] =	ssyncadd.s32 $0xFFFFF830  }
0x60: {  	[tilespmem:s22], [sflag:$0x2] =	stream.indirect.gather [hbm4b:s5+s20], $0x40, s0, s20, $0xb8;
	[tilespmem:$0x159A0] =	vst v63  }
0x61: {  	_ =	swait.ge [sflag:s23], $0x1F40  }
0x62: {  	[sflag:s23] =	ssyncset.done $0x0  }
0x63: {  	s1 =	sadd.s32 $0x2800, s31;
	[sflag:s23] =	ssyncadd.s32 $0xFFFFE0C0  }
0x64: {  	[spmem:s3] =	stream.indirect.scatter.add.bf16 [tilespmem:s18], [sflag:$0x3], $0x10, s1, s20, $0xb8;
	[tilespmem:$0x159A0] =	vst v63  }
0x65: {  	_ = 	snop  }
0x66: {  	[spmem:s2] =	stream.indirect.scatter.add.bf16 [tilespmem:s21], [sflag:$0x4], $0x40, s1, s20, $0xb8;
	[tilespmem:$0x159A0] =	vst v63  }
0x67: {  	_ =	swait.ge [sflag:s16], $0x1F40  }
0x68: {  	[sflag:s16] =	ssyncset.done $0x0  }
0x69: {  	[sflag:s16] =	ssyncadd.s32 $0xFFFFE0C0  }
0x6a: {  	_ =	swait.ge [sflag:s24], $0x7D0  }
0x6b: {  	[sflag:s24] =	ssyncset.done $0x0  }
0x6c: {  	s19 =	sadd.s32 $0x100, s31;
	[sflag:s24] =	ssyncadd.s32 $0xFFFFF830  }
0x6d: {  	[tilespmem:s21], [sflag:$0x1] =	stream.indirect.gather [hbm4b:s5+s20], $0x40, s19, s20, $0xb8;
	[tilespmem:$0x159A0] =	vst v63  }
0x6e: {  	_ =	swait.ge [sflag:s25], $0x1F40  }
0x6f: {  	[sflag:s25] =	ssyncset.done $0x0  }
0x70: {  	s26 =	sadd.s32 $0x2880, s31;
	[sflag:s25] =	ssyncadd.s32 $0xFFFFE0C0  }
0x71: {  	[spmem:s3] =	stream.indirect.scatter.add.bf16 [tilespmem:s18], [sflag:$0x3], $0x10, s26, s20, $0xb8;
	[tilespmem:$0x159A0] =	vst v63  }
0x72: {  	_ = 	snop  }
0x73: {  	[spmem:s2] =	stream.indirect.scatter.add.bf16 [tilespmem:s22], [sflag:$0x4], $0x40, s26, s20, $0xb8;
	[tilespmem:$0x159A0] =	vst v63  }
0x74: {  	_ =	swait.ge [sflag:s16], $0x1F40  }
0x75: {  	[sflag:s16] =	ssyncset.done $0x0  }
0x76: {  	[sflag:s16] =	ssyncadd.s32 $0xFFFFE0C0  }
0x77: {  	_ =	swait.ge [sflag:s24], $0x7D0  }
0x78: {  	[sflag:s24] =	ssyncset.done $0x0  }
0x79: {  	s31 =	simm.s32 $0x2780;
	[sflag:s24] =	ssyncadd.s32 $0xFFFFF830  }
0x7a: {  	[tilespmem:s22], [sflag:$0x2] =	stream.indirect.gather [hbm4b:s5+s20], $0x40, s31, s20, $0xb8;
	[tilespmem:$0x159A0] =	vst v63  }
0x7b: {  	_ =	swait.ge [sflag:s23], $0x1F40  }
0x7c: {  	[sflag:s23] =	ssyncset.done $0x0  }
0x7d: {  	[sflag:s23] =	ssyncadd.s32 $0xFFFFE0C0  }
0x7e: {  	[spmem:s3] =	stream.indirect.scatter.add.bf16 [tilespmem:s18], [sflag:$0x3], $0x10, s28, s20, $0xb8;
	[tilespmem:$0x159A0] =	vst v63  }
0x7f: {  	_ = 	snop  }
0x80: {  	[spmem:s2] =	stream.indirect.scatter.add.bf16 [tilespmem:s21], [sflag:$0x4], $0x40, s28, s20, $0xb8;
	[tilespmem:$0x159A0] =	vst v63  }
0x81: {  	_ =	swait.ge [sflag:s16], $0x1F40  }
0x82: {  	[sflag:s16] =	ssyncset.done $0x0  }
0x83: {  	[sflag:s16] =	ssyncadd.s32 $0xFFFFE0C0  }
0x84: {  	_ =	swait.ge [sflag:s24], $0x7D0  }
0x85: {  	[sflag:s24] =	ssyncset.done $0x0  }
0x86: {  	[sflag:s24] =	ssyncadd.s32 $0xFFFFF830  }
0x87: {  	_ =	swait.ge [sflag:s25], $0x1F40  }
0x88: {  	[sflag:s25] =	ssyncset.done $0x0  }
0x89: {  	[sflag:s25] =	ssyncadd.s32 $0xFFFFE0C0  }
0x8a: {  	[spmem:s3] =	stream.indirect.scatter.add.bf16 [tilespmem:s18], [sflag:$0x3], $0x10, s29, s20, $0xb8;
	[tilespmem:$0x159A0] =	vst v63  }
0x8b: {  	_ = 	snop  }
0x8c: {  	[spmem:s2] =	stream.indirect.scatter.add.bf16 [tilespmem:s22], [sflag:$0x4], $0x40, s29, s20, $0xb8;
	[tilespmem:$0x159A0] =	vst v63  }
0x8d: {  	_ =	swait.ge [sflag:s16], $0x1F40  }
0x8e: {  	[sflag:s16] =	ssyncset.done $0x0  }
0x8f: {  	[sflag:s16] =	ssyncadd.s32 $0xFFFFE0C0  }
0x90: {  	_ =	swait.ge [sflag:s24], $0x7D0  }
0x91: {  	[sflag:s24] =	ssyncset.done $0x0  }
0x92: {  	[sflag:s24] =	ssyncadd.s32 $0xFFFFF830  }
0x93: {  	[bflag:$0x0] =	sbarrier.arrive $0xFFFF  }
0x94: {  	[hbm:s12], [sflag:s9] =	dma.local [spmem:s15], $0x1388  }
0x95: {  	s30 =	sadd.s32 $0x1, s30;
	_ =	swait.ge [sflag:s16], $0x1388  }
0x96: {  	p0 =	sne.s32 s30, s14;
	[sflag:s16] =	ssyncset.done $0x0  }
.Ltmp1:
0x97: {  	[sflag:s16] =	ssyncadd.s32 $0xFFFFEC78;
	(pc) =	sbr.rel @p0 .LBB2_1-.Ltmp1, $4  }
0x98: {  	[hbm:s13], [sflag:s9] =	dma.local [spmem:s17], $0x4E2  }
0x99: {  	_ =	swait.ge [sflag:s16], $0x4E2  }
0x9a: {  	[sflag:s16] =	ssyncset.done $0x0  }
0x9b: {  	[sflag:s16] =	ssyncadd.s32 $0xFFFFFB1E  }
0x9c: {  	_ =	sfence.sel $0x180000  }
0x9d: {  	[bflag:$0x0] =	sbarrier.arrive $0xFFFF  }
0x9e: {  	_ =	strace $0x9000004A  }
0x9f: {  	s0 =	stileid.u32;
	[bflag:$0x2] =	sbarrier.arrive $0xFFFF  }
0xa0: {  	p0 =	sne.s32 s0, $0x0;
	s0 =	rddreg [dreg:$0x4]  }
0xa1: {  	s0 =	sadd.s32 @!p0 $0x100000, s0  }
0xa2: {  	[sflag:s0] =	ssyncadd.tile.s32 @!p0 $0x1;
	_ =	shalt  }
.Lfunc_end2:
_tile_overlayer_lowered:
.L_overlay_start_2:
0xa3: {  	(tag) =	ssettag $0x2  }
0xa4: {  	s0 =	rddreg [dreg:$0x0];
	s2 =	stileid.u32  }
0xa5: {  	s1 =	rddreg [dreg:$0x1];
	p0 =	sne.s32 s2, $0x0  }
0xa6: {  	s3 =	rddreg [dreg:$0x2];
	[bflag:$0x3] =	sbarrier.arrive $0xFFFF;
	s2 =	simm.s32 @!p0 $0x1C04  }
0xa7: {  	[timem:s3], [sflag:s2] =	dma.local @!p0 [hbm:s0], s1  }
0xa8: {  	s0 =	simm.s32 @!p0 $0x4  }
0xa9: {  	_ =	swait.ge @!p0 [sflag:s0], s1  }
0xaa: {  	s1 =	ssub.s32 @!p0 $0x0, s1;
	[sflag:s0] =	ssyncset.done @!p0 $0x0  }
0xab: {  	[sflag:s0] =	ssyncadd.s32 @!p0 s1  }
0xac: {  	[bflag:$0x3] =	sbarrier.arrive $0xFFFF  }
0xad: {  	_ =	shalt  }

</sc_bundles>
